<compile_context>
chip_gen: v7x
topology: tpu7x:2x2x1
jax: 0.10.2.dev20260603
libtpu: 0.0.44.dev20260713+nightly
codegen_flags: <defaults>
</compile_context>

<pallas_src>
import functools
import math

import jax
import jax.numpy as jnp
from jax import lax
from jax.experimental import pallas as pl
from jax.experimental.pallas import tpu as pltpu
from jax.experimental.pallas import tpu_sc as plsc

EMBED_DIM = 768
NUM_HEADS = 12
HEAD_DIM = 64
NUM_NODES = 8
ROPE_BASE = 10000.0

QBLK = 256

_TWO_PI_HI = 6.28125
_TWO_PI_LO = 0.0019353071795864769
_INV_TWO_PI = 1.0 / (2.0 * math.pi)

_COS_COEF = [1.0 / math.factorial(2 * m) * (-1) ** m for m in range(9)]
_SIN_COEF = [1.0 / math.factorial(2 * m + 1) * (-1) ** m for m in range(9)]


def _cos_sin(x):
    f32 = jnp.float32
    half = x.shape[1]
    x2 = jnp.concatenate([x, x], axis=1)
    u = x2 * _INV_TWO_PI
    kq = jnp.floor(u + 0.5)
    r = (x2 - kq * _TWO_PI_HI) - kq * _TWO_PI_LO
    y = r * r
    lane = jax.lax.broadcasted_iota(jnp.int32, (1, 2 * half), 1)
    is_cos = lane < half
    coef = [jnp.where(is_cos, _COS_COEF[m], _SIN_COEF[m]) for m in range(9)]
    p = jnp.broadcast_to(coef[8], y.shape)
    for m in range(7, -1, -1):
        p = p * y + coef[m]
    p = p * jnp.where(is_cos, 1.0, r)
    return p[:, :half].astype(f32), p[:, half:].astype(f32)


def _table_kernel(tab_ref):
    f32 = jnp.float32
    n = tab_ref.shape[0]
    hd = HEAD_DIM
    half = hd // 2
    t = jax.lax.broadcasted_iota(jnp.int32, (n, 1), 0).astype(f32)
    i2 = jax.lax.broadcasted_iota(jnp.int32, (1, half), 1).astype(f32)
    inv_freq = jnp.exp(i2 * (-2.0 * math.log(ROPE_BASE) / hd))
    cos, sin = _cos_sin(t * inv_freq)
    tab_ref[...] = jnp.concatenate([cos, cos, sin, sin], axis=1)


def _route_kernel(x_ref, wr_ref, nc_out, nr_out, pos_out):
    f32 = jnp.float32
    x = x_ref[...]
    n = x.shape[0]
    K = NUM_NODES
    H = NUM_HEADS

    logits_t = jax.lax.dot_general(wr_ref[...], x, (((1,), (1,)), ((), ())),
                                   preferred_element_type=f32)
    kidx = jax.lax.broadcasted_iota(jnp.int32, (K, n), 0).astype(f32)
    onehots = []
    nodes = []
    for h in range(H):
        lt = logits_t[h * K:(h + 1) * K]
        mx = jnp.max(lt, axis=0, keepdims=True)
        node_t = jnp.min(jnp.where(lt == mx, kidx, float(K)),
                         axis=0, keepdims=True)
        nodes.append(node_t)
        onehots.append((kidx == node_t).astype(f32))
    oh = jnp.concatenate(onehots, axis=0)
    cum = oh
    shift = 1
    while shift < n:
        zeros = jnp.zeros((H * K, shift), dtype=f32)
        cum = cum + jnp.concatenate([zeros, cum[:, :-shift]], axis=1)
        shift *= 2
    sel = oh * cum
    for h in range(H):
        pos_t = jnp.sum(sel[h * K:(h + 1) * K], axis=0, keepdims=True) - 1.0
        nr_out[h] = nodes[h]
        nc_out[h] = jnp.transpose(nodes[h])
        pos_out[h] = pos_t.astype(jnp.int32)


def _qkv_kernel(x_ref, wqkv_ref, qk_out, vx_out):
    f32 = jnp.float32
    bf16 = jnp.bfloat16
    x = x_ref[...]
    n = x.shape[0]
    hd = HEAD_DIM
    qkv = jax.lax.dot_general(x.astype(bf16), wqkv_ref[0].astype(bf16),
                              (((1,), (1,)), ((), ())),
                              preferred_element_type=f32)
    qk_out[0] = qkv[:, :2 * hd]
    vx_out[0] = jnp.concatenate([qkv[:, 2 * hd:], jnp.ones((n, hd), f32)],
                                axis=1).astype(bf16)


def _make_sc_gather(n_rows, width, n_workers):
    rows_per_w = n_rows // n_workers
    mesh = plsc.VectorSubcoreMesh(core_axis_name="c", subcore_axis_name="s")

    @functools.partial(
        pl.kernel, mesh=mesh,
        out_type=jax.ShapeDtypeStruct((n_rows, width), jnp.float32),
        scratch_types=[
            pltpu.VMEM((rows_per_w,), jnp.int32),
            pltpu.VMEM((rows_per_w, width), jnp.float32),
            pltpu.SemaphoreType.DMA,
        ],
    )
    def sc_gather(table_hbm, idx_hbm, out_hbm, idx_v, rows_v, sem):
        wid = lax.axis_index("s") * 2 + lax.axis_index("c")
        base = wid * rows_per_w
        pltpu.sync_copy(idx_hbm.at[pl.ds(base, rows_per_w)], idx_v)
        pltpu.async_copy(table_hbm.at[idx_v], rows_v, sem).wait()
        pltpu.sync_copy(rows_v, out_hbm.at[pl.ds(base, rows_per_w)])

    return sc_gather


def _rope_apply_kernel(qk_ref, cs_ref, q_out, k_out):
    bf16 = jnp.bfloat16
    hd = HEAD_DIM
    half = hd // 2
    scale = hd ** -0.5
    qk = qk_ref[0]
    cs = cs_ref[0]
    cos2 = cs[:, :hd]
    sin2 = cs[:, hd:]
    cos4 = jnp.concatenate([cos2, cos2], axis=1)
    sin4 = jnp.concatenate([sin2, sin2], axis=1)
    rot = jnp.concatenate([-qk[:, half:hd], qk[:, :half],
                           -qk[:, hd + half:], qk[:, hd:hd + half]], axis=1)
    qk_roped = qk * cos4 + rot * sin4
    q_out[0] = (qk_roped[:, :hd] * scale).astype(bf16)
    k_out[0] = qk_roped[:, hd:].astype(bf16)


def _attn_out_kernel(q_ref, k_ref, vx_ref, nc_ref, nr_ref, wo_ref,
                     o_ref, y_ref):
    f32 = jnp.float32
    bf16 = jnp.bfloat16
    qi = pl.program_id(0)
    H = q_ref.shape[0]
    n = k_ref.shape[1]
    hd = HEAD_DIM

    rr = jax.lax.broadcasted_iota(jnp.int32, (QBLK, n), 0) + qi * QBLK
    cc = jax.lax.broadcasted_iota(jnp.int32, (QBLK, n), 1)
    causal = rr >= cc

    for h in range(H):
        s = jax.lax.dot_general(q_ref[h], k_ref[h], (((1,), (1,)), ((), ())),
                                preferred_element_type=f32)
        d = nc_ref[h] - nr_ref[h]
        e = jnp.exp(s + d * d * (-1e9))
        e = jnp.where(causal, e, 0.0)
        accx = jax.lax.dot_general(e.astype(bf16), vx_ref[h],
                                   (((1,), (0,)), ((), ())),
                                   preferred_element_type=f32)
        y_ref[:, h * hd:(h + 1) * hd] = (
            accx[:, :hd] / accx[:, hd:hd + 1]).astype(bf16)

    o_ref[...] = jax.lax.dot_general(y_ref[...], wo_ref[...],
                                     (((1,), (1,)), ((), ())),
                                     preferred_element_type=f32)


@jax.jit
def kernel(x, Wq, Wk, Wv, Wr, Wo):
    B, N, D = x.shape
    H, hd, K = NUM_HEADS, HEAD_DIM, NUM_NODES
    x2 = x.reshape(N, D)
    wqkv = jnp.concatenate([Wq.reshape(H, hd, D), Wk.reshape(H, hd, D),
                            Wv.reshape(H, hd, D)], axis=1)

    table = pl.pallas_call(
        _table_kernel,
        out_shape=jax.ShapeDtypeStruct((N, 2 * hd), jnp.float32),
    )()

    node_c, node_r, pos = pl.pallas_call(
        _route_kernel,
        out_specs=[
            pl.BlockSpec((H, N, 1), lambda: (0, 0, 0)),
            pl.BlockSpec((H, 1, N), lambda: (0, 0, 0)),
            pl.BlockSpec((H, 1, N), lambda: (0, 0, 0)),
        ],
        out_shape=[
            jax.ShapeDtypeStruct((H, N, 1), jnp.float32),
            jax.ShapeDtypeStruct((H, 1, N), jnp.float32),
            jax.ShapeDtypeStruct((H, 1, N), jnp.int32),
        ],
    )(x2, Wr)

    sc_gather = _make_sc_gather(H * N, 2 * hd, 32)
    cossin = sc_gather(table, pos.reshape(H * N))

    qk2, vx = pl.pallas_call(
        _qkv_kernel,
        grid=(H,),
        in_specs=[
            pl.BlockSpec((N, D), lambda h: (0, 0)),
            pl.BlockSpec((1, 3 * hd, D), lambda h: (h, 0, 0)),
        ],
        out_specs=[
            pl.BlockSpec((1, N, 2 * hd), lambda h: (h, 0, 0)),
            pl.BlockSpec((1, N, 2 * hd), lambda h: (h, 0, 0)),
        ],
        out_shape=[
            jax.ShapeDtypeStruct((H, N, 2 * hd), jnp.float32),
            jax.ShapeDtypeStruct((H, N, 2 * hd), jnp.bfloat16),
        ],
    )(x2, wqkv)

    q, k = pl.pallas_call(
        _rope_apply_kernel,
        grid=(H,),
        in_specs=[
            pl.BlockSpec((1, N, 2 * hd), lambda h: (h, 0, 0)),
            pl.BlockSpec((1, N, 2 * hd), lambda h: (h, 0, 0)),
        ],
        out_specs=[
            pl.BlockSpec((1, N, hd), lambda h: (h, 0, 0)),
            pl.BlockSpec((1, N, hd), lambda h: (h, 0, 0)),
        ],
        out_shape=[
            jax.ShapeDtypeStruct((H, N, hd), jnp.bfloat16),
            jax.ShapeDtypeStruct((H, N, hd), jnp.bfloat16),
        ],
    )(qk2, cossin.reshape(H, N, 2 * hd))

    out = pl.pallas_call(
        _attn_out_kernel,
        grid=(N // QBLK,),
        in_specs=[
            pl.BlockSpec((H, QBLK, hd), lambda i: (0, i, 0)),
            pl.BlockSpec((H, N, hd), lambda i: (0, 0, 0)),
            pl.BlockSpec((H, N, 2 * hd), lambda i: (0, 0, 0)),
            pl.BlockSpec((H, QBLK, 1), lambda i: (0, i, 0)),
            pl.BlockSpec((H, 1, N), lambda i: (0, 0, 0)),
            pl.BlockSpec((D, H * hd), lambda i: (0, 0)),
        ],
        out_specs=pl.BlockSpec((QBLK, D), lambda i: (i, 0)),
        out_shape=jax.ShapeDtypeStruct((N, D), jnp.float32),
        scratch_shapes=[
            pltpu.VMEM((QBLK, H * hd), jnp.bfloat16),
        ],
    )(q, k, vx, node_c, node_r, Wo.astype(jnp.bfloat16))
    return out.reshape(B, N, D)

# --- scband reference (transcript-rebuilt; emitter-appended) ---
"""Pipeline reference for scband-hyper-graph-sparse-attention-20985210208482 (READ-ONLY COPY).

The authoritative reference and input builder live on the scoring server;
editing this copy changes nothing except your own understanding.
"""

import jax, jax.numpy as jnp
import numpy as np

EMBED_DIM = 768
NUM_HEADS = 12
HEAD_DIM = EMBED_DIM // NUM_HEADS
NUM_NODES = 8
MAX_SEQ = 8192
ROPE_BASE = 10000.0


def setup_inputs(seed: int = 0) -> dict:
    key = jax.random.key(seed)
    ks = jax.random.split(key, 6)
    B, N, D = 1, 2048, EMBED_DIM
    s = 0.02
    x = jax.random.normal(ks[0], (B, N, D), dtype=jnp.float32)
    Wq = jax.random.normal(ks[1], (NUM_HEADS * HEAD_DIM, D), dtype=jnp.float32) * s
    Wk = jax.random.normal(ks[2], (NUM_HEADS * HEAD_DIM, D), dtype=jnp.float32) * s
    Wv = jax.random.normal(ks[3], (NUM_HEADS * HEAD_DIM, D), dtype=jnp.float32) * s
    Wr = jax.random.normal(ks[4], (NUM_HEADS * NUM_NODES, D), dtype=jnp.float32) * s
    Wo = jax.random.normal(ks[5], (D, NUM_HEADS * HEAD_DIM), dtype=jnp.float32) * s
    return {"x": x, "Wq": Wq, "Wk": Wk, "Wv": Wv, "Wr": Wr, "Wo": Wo}


def _rope_cache():
    inv_freq = 1.0 / (ROPE_BASE ** (jnp.arange(0, HEAD_DIM, 2, dtype=jnp.float32) / HEAD_DIM))
    t = jnp.arange(MAX_SEQ, dtype=jnp.float32)
    freqs = jnp.outer(t, inv_freq)
    emb = jnp.concatenate([freqs, freqs], axis=-1)
    return jnp.cos(emb), jnp.sin(emb)


def _rotate_half(u):
    h = u.shape[-1] // 2
    return jnp.concatenate([-u[..., h:], u[..., :h]], axis=-1)


def reference(x, Wq, Wk, Wv, Wr, Wo):
    B, N, D = x.shape
    H, hd, K = NUM_HEADS, HEAD_DIM, NUM_NODES
    # projections
    q = (x @ Wq.T).reshape(B, N, H, hd).transpose(0, 2, 1, 3)  # (B,H,N,hd)
    k = (x @ Wk.T).reshape(B, N, H, hd).transpose(0, 2, 1, 3)
    v = (x @ Wv.T).reshape(B, N, H, hd).transpose(0, 2, 1, 3)
    # per-head node routing logits (B,H,N,K); eval mode -> deterministic argmax
    logits = (x @ Wr.T).reshape(B, N, H, K).transpose(0, 2, 1, 3)
    node = jnp.argmax(logits, axis=-1)  # (B,H,N) primary hyper-node per token
    # per-node sequential positions: count of same-node tokens so far
    onehot = jax.nn.one_hot(node, K, dtype=jnp.int32)  # (B,H,N,K)
    cum = jnp.cumsum(onehot, axis=2)
    pos = jnp.take_along_axis(cum, node[..., None], axis=-1)[..., 0] - 1  # (B,H,N)
    # RoPE with per-timeline positions (gather from cos/sin cache)
    cos_c, sin_c = _rope_cache()
    cos = cos_c[pos]  # (B,H,N,hd)
    sin = sin_c[pos]
    q = q * cos + _rotate_half(q) * sin
    k = k * cos + _rotate_half(k) * sin
    # block-diagonal causal attention: attend only within same (head, node)
    scale = hd ** (-0.5)
    scores = jnp.einsum('bhqd,bhkd->bhqk', q, k) * scale
    causal = jnp.tril(jnp.ones((N, N), dtype=bool))
    same = node[:, :, :, None] == node[:, :, None, :]
    mask = same & causal[None, None]
    scores = jnp.where(mask, scores, jnp.float32(-1e9))
    attn = jax.nn.softmax(scores, axis=-1)
    out = jnp.einsum('bhqk,bhkd->bhqd', attn, v)
    out = out.transpose(0, 2, 1, 3).reshape(B, N, H * hd)
    return out @ Wo.T

if __name__ == "__main__":
    import jax
    _d = setup_inputs()
    print(jax.jit(kernel)(*tuple(_d.values())))

</pallas_src>

<mosaic_0001>
#map = affine_map<(d0, d1) -> (0, 0)>
#map1 = affine_map<(d0, d1) -> (0)>
module attributes {stable_mosaic.version = 14 : i64} {
  func.func @sc_gather(%arg0: i32, %arg1: i32, %arg2: memref<2048x128xf32, #tpu.memory_space<hbm>>, %arg3: memref<24576xi32, #tpu.memory_space<hbm>>, %arg4: memref<24576x128xf32, #tpu.memory_space<hbm>>, %arg5: memref<768xi32, #tpu.memory_space<vmem>>, %arg6: memref<768x128xf32, #tpu.memory_space<vmem>>, %arg7: memref<!tpu.dma_semaphore, #tpu.memory_space<semaphore_mem>>) attributes {dimension_semantics = [#tpu.dimension_semantics<core_parallel>, #tpu.dimension_semantics<subcore_parallel>], iteration_bounds = array<i64: 2, 16>, scalar_prefetch = 0 : i64, scratch_operands = 3 : i64, tpu.core_type = #tpu.core_type<sc_vector_subcore>, window_params = [{transform_indices = #map}, {transform_indices = #map1}, {transform_indices = #map}]} {
    %mul3A = arith.constant 2 : i32
    %mul3A_0 = arith.muli %arg1, %mul3A : i32
    %add3A = arith.addi %mul3A_0, %arg0 : i32
    %mul3A_1 = arith.constant 768 : i32
    %mul3A_2 = arith.muli %add3A, %mul3A_1 : i32
    "tpu.region"() ({
      %run_scoped3A = tpu.sem_alloc : memref<!tpu.dma_semaphore, #tpu.memory_space<semaphore_mem>>
      %dma_start3A_7 = tpu.memref_slice %arg3[%mul3A_2] : memref<24576xi32, #tpu.memory_space<hbm>> -> memref<768xi32, #tpu.memory_space<hbm>>
      %dma_start3A_8 = tpu.memref_slice %arg3[%mul3A_2] : memref<24576xi32, #tpu.memory_space<hbm>> -> memref<768xi32, #tpu.memory_space<hbm>>
      tpu.enqueue_dma source(%dma_start3A_8 : memref<768xi32, #tpu.memory_space<hbm>>) target(%arg5 : memref<768xi32, #tpu.memory_space<vmem>>) target_semaphore(%run_scoped3A : memref<!tpu.dma_semaphore, #tpu.memory_space<semaphore_mem>>)
      %dma_wait3A_9 = tpu.memref_slice %arg3[%mul3A_2] : memref<24576xi32, #tpu.memory_space<hbm>> -> memref<768xi32, #tpu.memory_space<hbm>>
      %dma_wait3A_10 = tpu.memref_slice %arg3[%mul3A_2] : memref<24576xi32, #tpu.memory_space<hbm>> -> memref<768xi32, #tpu.memory_space<hbm>>
      tpu.wait_dma2 semaphore(%run_scoped3A : memref<!tpu.dma_semaphore, #tpu.memory_space<semaphore_mem>>) src(%dma_wait3A_10 : memref<768xi32, #tpu.memory_space<hbm>>) dst(%arg5 : memref<768xi32, #tpu.memory_space<vmem>>)
      tpu.yield
    }) : () -> ()
    %dma_start3A = arith.constant 0 : i32
    %dma_start3A_3 = arith.constant 0 : i32
    %dma_start3A_4 = tpu.memref_slice %arg2[%dma_start3A, %dma_start3A_3] : memref<2048x128xf32, #tpu.memory_space<hbm>> -> memref<2048x128xf32, #tpu.memory_space<hbm>>
    tpu.enqueue_indirect_dma source(%dma_start3A_4 : memref<2048x128xf32, #tpu.memory_space<hbm>>) target(%arg6 : memref<768x128xf32, #tpu.memory_space<vmem>>) offsets(%arg5 : memref<768xi32, #tpu.memory_space<vmem>>) semaphore(%arg7 : memref<!tpu.dma_semaphore, #tpu.memory_space<semaphore_mem>>)
    %dma_wait3A = arith.constant 0 : i32
    %dma_wait3A_5 = arith.constant 0 : i32
    %dma_wait3A_6 = tpu.memref_slice %arg2[%dma_wait3A, %dma_wait3A_5] : memref<2048x128xf32, #tpu.memory_space<hbm>> -> memref<2048x128xf32, #tpu.memory_space<hbm>>
    tpu.wait_indirect_dma semaphore(%arg7 : memref<!tpu.dma_semaphore, #tpu.memory_space<semaphore_mem>>) src(%dma_wait3A_6 : memref<2048x128xf32, #tpu.memory_space<hbm>>) dst(%arg6 : memref<768x128xf32, #tpu.memory_space<vmem>>)
    "tpu.region"() ({
      %run_scoped3A = tpu.sem_alloc : memref<!tpu.dma_semaphore, #tpu.memory_space<semaphore_mem>>
      %dma_start3A_7 = arith.constant 0 : i32
      %dma_start3A_8 = tpu.memref_slice %arg4[%mul3A_2, %dma_start3A_7] : memref<24576x128xf32, #tpu.memory_space<hbm>> -> memref<768x128xf32, #tpu.memory_space<hbm>>
      %dma_start3A_9 = arith.constant 0 : i32
      %dma_start3A_10 = tpu.memref_slice %arg4[%mul3A_2, %dma_start3A_9] : memref<24576x128xf32, #tpu.memory_space<hbm>> -> memref<768x128xf32, #tpu.memory_space<hbm>>
      tpu.enqueue_dma source(%arg6 : memref<768x128xf32, #tpu.memory_space<vmem>>) target(%dma_start3A_10 : memref<768x128xf32, #tpu.memory_space<hbm>>) target_semaphore(%run_scoped3A : memref<!tpu.dma_semaphore, #tpu.memory_space<semaphore_mem>>)
      %dma_wait3A_11 = arith.constant 0 : i32
      %dma_wait3A_12 = tpu.memref_slice %arg4[%mul3A_2, %dma_wait3A_11] : memref<24576x128xf32, #tpu.memory_space<hbm>> -> memref<768x128xf32, #tpu.memory_space<hbm>>
      %dma_wait3A_13 = arith.constant 0 : i32
      %dma_wait3A_14 = tpu.memref_slice %arg4[%mul3A_2, %dma_wait3A_13] : memref<24576x128xf32, #tpu.memory_space<hbm>> -> memref<768x128xf32, #tpu.memory_space<hbm>>
      tpu.wait_dma2 semaphore(%run_scoped3A : memref<!tpu.dma_semaphore, #tpu.memory_space<semaphore_mem>>) src(%arg6 : memref<768x128xf32, #tpu.memory_space<vmem>>) dst(%dma_wait3A_14 : memref<768x128xf32, #tpu.memory_space<hbm>>)
      tpu.yield
    }) : () -> ()
    return
  }
}

module attributes {stable_mosaic.version = 14 : i64} {
  func.func @_qkv_kernel(%arg0: i32, %arg1: memref<2048x768xf32, #tpu.memory_space<vmem>>, %arg2: memref<1x192x768xf32, #tpu.memory_space<vmem>>, %arg3: memref<1x2048x128xf32, #tpu.memory_space<vmem>>, %arg4: memref<1x2048x128xbf16, #tpu.memory_space<vmem>>) attributes {dimension_semantics = [#tpu.dimension_semantics<arbitrary>], iteration_bounds = array<i64: 12>, scalar_prefetch = 0 : i64, scratch_operands = 0 : i64, tpu.core_type = #tpu.core_type<tc>, window_params = [{pipeline_mode = #tpu.pipeline_mode<synchronous>, transform_indices = @transform_0, window_bounds = array<i64: 2048, 768>}, {transform_indices = @transform_1, window_bounds = array<i64: 1, 192, 768>}, {transform_indices = @transform_2, window_bounds = array<i64: 1, 2048, 128>}, {transform_indices = @transform_3, window_bounds = array<i64: 1, 2048, 128>}]} {
    %get3A = arith.constant 0 : index
    %get3A_0 = arith.constant 0 : index
    %get3A_1 = vector.load %arg1[%get3A, %get3A_0] : memref<2048x768xf32, #tpu.memory_space<vmem>>, vector<2048x768xf32>
    %convert_element_type3A = arith.truncf %get3A_1 : vector<2048x768xf32> to vector<2048x768xbf16>
    %get3A_2 = arith.constant 0 : index
    %get3A_3 = arith.constant 0 : index
    %get3A_4 = arith.constant 0 : index
    %get3A_5 = vector.load %arg2[%get3A_2, %get3A_3, %get3A_4] : memref<1x192x768xf32, #tpu.memory_space<vmem>>, vector<1x192x768xf32>
    %get3A_6 = vector.shape_cast %get3A_5 : vector<1x192x768xf32> to vector<192x768xf32>
    %convert_element_type3A_7 = arith.truncf %get3A_6 : vector<192x768xf32> to vector<192x768xbf16>
    %dot_general3A = arith.constant dense<0.000000e+00> : vector<2048x192xf32>
    %dot_general3A_8 = tpu.matmul %convert_element_type3A, %convert_element_type3A_7, %dot_general3A {dimension_numbers = #tpu.dot_dimension_numbers<[1], [1], [0], [0], [0, 0, 1, 0], [], []>, transpose_lhs_hint = false} : vector<2048x768xbf16>, vector<192x768xbf16>, vector<2048x192xf32> -> vector<2048x192xf32>
    %slice3A = vector.extract_strided_slice %dot_general3A_8 {offsets = [0, 0], sizes = [2048, 128], strides = [1, 1]} : vector<2048x192xf32> to vector<2048x128xf32>
    %swap3A = arith.constant 0 : index
    %swap3A_9 = arith.constant 0 : index
    %swap3A_10 = arith.constant 0 : index
    %swap3A_11 = vector.load %arg3[%swap3A, %swap3A_9, %swap3A_10] : memref<1x2048x128xf32, #tpu.memory_space<vmem>>, vector<1x2048x128xf32>
    %swap3A_12 = vector.shape_cast %swap3A_11 : vector<1x2048x128xf32> to vector<2048x128xf32>
    %swap3A_13 = vector.shape_cast %slice3A : vector<2048x128xf32> to vector<1x2048x128xf32>
    tpu.vector_store %arg3[%swap3A, %swap3A_9, %swap3A_10], %swap3A_13 {strides = array<i32>} : memref<1x2048x128xf32, #tpu.memory_space<vmem>>, vector<1x2048x128xf32>,
    %slice3A_14 = vector.extract_strided_slice %dot_general3A_8 {offsets = [0, 128], sizes = [2048, 64], strides = [1, 1]} : vector<2048x192xf32> to vector<2048x64xf32>
    %broadcast_in_dim3A = arith.constant 1.000000e+00 : f32
    %broadcast_in_dim3A_15 = vector.broadcast %broadcast_in_dim3A : f32 to vector<2048x64xf32>
    %concatenate3A = tpu.concatenate %slice3A_14, %broadcast_in_dim3A_15 in 1 : vector<2048x64xf32>, vector<2048x64xf32> -> vector<2048x128xf32>
    %convert_element_type3A_16 = arith.truncf %concatenate3A : vector<2048x128xf32> to vector<2048x128xbf16>
    %swap3A_17 = arith.constant 0 : index
    %swap3A_18 = arith.constant 0 : index
    %swap3A_19 = arith.constant 0 : index
    %swap3A_20 = vector.load %arg4[%swap3A_17, %swap3A_18, %swap3A_19] : memref<1x2048x128xbf16, #tpu.memory_space<vmem>>, vector<1x2048x128xbf16>
    %swap3A_21 = vector.shape_cast %swap3A_20 : vector<1x2048x128xbf16> to vector<2048x128xbf16>
    %swap3A_22 = vector.shape_cast %convert_element_type3A_16 : vector<2048x128xbf16> to vector<1x2048x128xbf16>
    tpu.vector_store %arg4[%swap3A_17, %swap3A_18, %swap3A_19], %swap3A_22 {strides = array<i32>} : memref<1x2048x128xbf16, #tpu.memory_space<vmem>>, vector<1x2048x128xbf16>,
    return
  }
  func.func @transform_0(%arg0: i32) -> (i32, i32) {
    %c0_i32 = arith.constant 0 : i32
    %c0_i32_0 = arith.constant 0 : i32
    %c0_i32_1 = arith.constant 0 : i32
    return %c0_i32, %c0_i32_0 : i32, i32
  }
  func.func @transform_1(%arg0: i32) -> (i32, i32, i32) {
    %c0_i32 = arith.constant 0 : i32
    %c0_i32_0 = arith.constant 0 : i32
    %c0_i32_1 = arith.constant 0 : i32
    return %arg0, %c0_i32, %c0_i32_0 : i32, i32, i32
  }
  func.func @transform_2(%arg0: i32) -> (i32, i32, i32) {
    %c0_i32 = arith.constant 0 : i32
    %c0_i32_0 = arith.constant 0 : i32
    %c0_i32_1 = arith.constant 0 : i32
    return %arg0, %c0_i32, %c0_i32_0 : i32, i32, i32
  }
  func.func @transform_3(%arg0: i32) -> (i32, i32, i32) {
    %c0_i32 = arith.constant 0 : i32
    %c0_i32_0 = arith.constant 0 : i32
    %c0_i32_1 = arith.constant 0 : i32
    return %arg0, %c0_i32, %c0_i32_0 : i32, i32, i32
  }
}

module attributes {stable_mosaic.version = 14 : i64} {
  func.func @_table_kernel(%arg0: memref<2048x128xf32, #tpu.memory_space<vmem>>) attributes {dimension_semantics = [], scalar_prefetch = 0 : i64, scratch_operands = 0 : i64, tpu.core_type = #tpu.core_type<tc>} {
    %iota3A = tpu.iota {dimensions = array<i32: 0>} : vector<2048x1xi32>
    %convert_element_type3A = arith.sitofp %iota3A : vector<2048x1xi32> to vector<2048x1xf32>
    %iota3A_0 = tpu.iota {dimensions = array<i32: 1>} : vector<1x32xi32>
    %convert_element_type3A_1 = arith.sitofp %iota3A_0 : vector<1x32xi32> to vector<1x32xf32>
    %mul3A = arith.constant -0.287823141 : f32
    %mul3A_2 = vector.broadcast %mul3A : f32 to vector<1x32xf32>
    %mul3A_3 = arith.mulf %convert_element_type3A_1, %mul3A_2 : vector<1x32xf32>
    %exp3A = math.exp %mul3A_3 : vector<1x32xf32>
    %mul3A_4 = vector.broadcast %convert_element_type3A : vector<2048x1xf32> to vector<2048x32xf32>
    %mul3A_5 = vector.broadcast %exp3A : vector<1x32xf32> to vector<2048x32xf32>
    %mul3A_6 = arith.mulf %mul3A_4, %mul3A_5 : vector<2048x32xf32>
    %concatenate3A = tpu.concatenate %mul3A_6, %mul3A_6 in 1 : vector<2048x32xf32>, vector<2048x32xf32> -> vector<2048x64xf32>
    %mul3A_7 = arith.constant 0.159154937 : f32
    %mul3A_8 = vector.broadcast %mul3A_7 : f32 to vector<2048x64xf32>
    %mul3A_9 = arith.mulf %concatenate3A, %mul3A_8 : vector<2048x64xf32>
    %add3A = arith.constant 5.000000e-01 : f32
    %add3A_10 = vector.broadcast %add3A : f32 to vector<2048x64xf32>
    %add3A_11 = arith.addf %mul3A_9, %add3A_10 : vector<2048x64xf32>
    %floor3A = math.floor %add3A_11 : vector<2048x64xf32>
    %mul3A_12 = arith.constant 6.281250e+00 : f32
    %mul3A_13 = vector.broadcast %mul3A_12 : f32 to vector<2048x64xf32>
    %mul3A_14 = arith.mulf %floor3A, %mul3A_13 : vector<2048x64xf32>
    %sub3A = arith.subf %concatenate3A, %mul3A_14 : vector<2048x64xf32>
    %mul3A_15 = arith.constant 0.00193530717 : f32
    %mul3A_16 = vector.broadcast %mul3A_15 : f32 to vector<2048x64xf32>
    %mul3A_17 = arith.mulf %floor3A, %mul3A_16 : vector<2048x64xf32>
    %sub3A_18 = arith.subf %sub3A, %mul3A_17 : vector<2048x64xf32>
    %mul3A_19 = arith.mulf %sub3A_18, %sub3A_18 : vector<2048x64xf32>
    %iota3A_20 = tpu.iota {dimensions = array<i32: 1>} : vector<1x64xi32>
    %lt3A = arith.constant 32 : i32
    %lt3A_21 = vector.broadcast %lt3A : i32 to vector<1x64xi32>
    %lt3A_22 = arith.cmpi slt, %iota3A_20, %lt3A_21 : vector<1x64xi32>
    %jit3A = arith.constant 1.000000e+00 : f32
    %jit3A_23 = arith.constant 1.000000e+00 : f32
    %broadcast_in_dim3A = vector.broadcast %jit3A : f32 to vector<1x64xf32>
    %broadcast_in_dim3A_24 = vector.broadcast %jit3A_23 : f32 to vector<1x64xf32>
    %select_n3A = arith.select %lt3A_22, %broadcast_in_dim3A, %broadcast_in_dim3A_24 : vector<1x64xi1>, vector<1x64xf32>
    %jit3A_25 = arith.constant -5.000000e-01 : f32
    %jit3A_26 = arith.constant -0.166666672 : f32
    %broadcast_in_dim3A_27 = vector.broadcast %jit3A_25 : f32 to vector<1x64xf32>
    %broadcast_in_dim3A_28 = vector.broadcast %jit3A_26 : f32 to vector<1x64xf32>
    %select_n3A_29 = arith.select %lt3A_22, %broadcast_in_dim3A_27, %broadcast_in_dim3A_28 : vector<1x64xi1>, vector<1x64xf32>
    %jit3A_30 = arith.constant 0.0416666679 : f32
    %jit3A_31 = arith.constant 0.00833333377 : f32
    %broadcast_in_dim3A_32 = vector.broadcast %jit3A_30 : f32 to vector<1x64xf32>
    %broadcast_in_dim3A_33 = vector.broadcast %jit3A_31 : f32 to vector<1x64xf32>
    %select_n3A_34 = arith.select %lt3A_22, %broadcast_in_dim3A_32, %broadcast_in_dim3A_33 : vector<1x64xi1>, vector<1x64xf32>
    %jit3A_35 = arith.constant -0.00138888892 : f32
    %jit3A_36 = arith.constant -1.98412701E-4 : f32
    %broadcast_in_dim3A_37 = vector.broadcast %jit3A_35 : f32 to vector<1x64xf32>
    %broadcast_in_dim3A_38 = vector.broadcast %jit3A_36 : f32 to vector<1x64xf32>
    %select_n3A_39 = arith.select %lt3A_22, %broadcast_in_dim3A_37, %broadcast_in_dim3A_38 : vector<1x64xi1>, vector<1x64xf32>
    %jit3A_40 = arith.constant 2.48015876E-5 : f32
    %jit3A_41 = arith.constant 2.75573188E-6 : f32
    %broadcast_in_dim3A_42 = vector.broadcast %jit3A_40 : f32 to vector<1x64xf32>
    %broadcast_in_dim3A_43 = vector.broadcast %jit3A_41 : f32 to vector<1x64xf32>
    %select_n3A_44 = arith.select %lt3A_22, %broadcast_in_dim3A_42, %broadcast_in_dim3A_43 : vector<1x64xi1>, vector<1x64xf32>
    %jit3A_45 = arith.constant -2.755732E-7 : f32
    %jit3A_46 = arith.constant -2.50521079E-8 : f32
    %broadcast_in_dim3A_47 = vector.broadcast %jit3A_45 : f32 to vector<1x64xf32>
    %broadcast_in_dim3A_48 = vector.broadcast %jit3A_46 : f32 to vector<1x64xf32>
    %select_n3A_49 = arith.select %lt3A_22, %broadcast_in_dim3A_47, %broadcast_in_dim3A_48 : vector<1x64xi1>, vector<1x64xf32>
    %jit3A_50 = arith.constant 2.08767559E-9 : f32
    %jit3A_51 = arith.constant 1.60590444E-10 : f32
    %broadcast_in_dim3A_52 = vector.broadcast %jit3A_50 : f32 to vector<1x64xf32>
    %broadcast_in_dim3A_53 = vector.broadcast %jit3A_51 : f32 to vector<1x64xf32>
    %select_n3A_54 = arith.select %lt3A_22, %broadcast_in_dim3A_52, %broadcast_in_dim3A_53 : vector<1x64xi1>, vector<1x64xf32>
    %jit3A_55 = arith.constant -1.14707454E-11 : f32
    %jit3A_56 = arith.constant -7.6471636E-13 : f32
    %broadcast_in_dim3A_57 = vector.broadcast %jit3A_55 : f32 to vector<1x64xf32>
    %broadcast_in_dim3A_58 = vector.broadcast %jit3A_56 : f32 to vector<1x64xf32>
    %select_n3A_59 = arith.select %lt3A_22, %broadcast_in_dim3A_57, %broadcast_in_dim3A_58 : vector<1x64xi1>, vector<1x64xf32>
    %jit3A_60 = arith.constant 4.77947726E-14 : f32
    %jit3A_61 = arith.constant 2.81145736E-15 : f32
    %broadcast_in_dim3A_62 = vector.broadcast %jit3A_60 : f32 to vector<1x64xf32>
    %broadcast_in_dim3A_63 = vector.broadcast %jit3A_61 : f32 to vector<1x64xf32>
    %select_n3A_64 = arith.select %lt3A_22, %broadcast_in_dim3A_62, %broadcast_in_dim3A_63 : vector<1x64xi1>, vector<1x64xf32>
    %broadcast_in_dim3A_65 = vector.shape_cast %select_n3A_64 : vector<1x64xf32> to vector<1x64xf32>
    %broadcast_in_dim3A_66 = vector.broadcast %broadcast_in_dim3A_65 : vector<1x64xf32> to vector<2048x64xf32>
    %mul3A_67 = arith.mulf %broadcast_in_dim3A_66, %mul3A_19 : vector<2048x64xf32>
    %add3A_68 = vector.broadcast %select_n3A_59 : vector<1x64xf32> to vector<2048x64xf32>
    %add3A_69 = arith.addf %mul3A_67, %add3A_68 : vector<2048x64xf32>
    %mul3A_70 = arith.mulf %add3A_69, %mul3A_19 : vector<2048x64xf32>
    %add3A_71 = vector.broadcast %select_n3A_54 : vector<1x64xf32> to vector<2048x64xf32>
    %add3A_72 = arith.addf %mul3A_70, %add3A_71 : vector<2048x64xf32>
    %mul3A_73 = arith.mulf %add3A_72, %mul3A_19 : vector<2048x64xf32>
    %add3A_74 = vector.broadcast %select_n3A_49 : vector<1x64xf32> to vector<2048x64xf32>
    %add3A_75 = arith.addf %mul3A_73, %add3A_74 : vector<2048x64xf32>
    %mul3A_76 = arith.mulf %add3A_75, %mul3A_19 : vector<2048x64xf32>
    %add3A_77 = vector.broadcast %select_n3A_44 : vector<1x64xf32> to vector<2048x64xf32>
    %add3A_78 = arith.addf %mul3A_76, %add3A_77 : vector<2048x64xf32>
    %mul3A_79 = arith.mulf %add3A_78, %mul3A_19 : vector<2048x64xf32>
    %add3A_80 = vector.broadcast %select_n3A_39 : vector<1x64xf32> to vector<2048x64xf32>
    %add3A_81 = arith.addf %mul3A_79, %add3A_80 : vector<2048x64xf32>
    %mul3A_82 = arith.mulf %add3A_81, %mul3A_19 : vector<2048x64xf32>
    %add3A_83 = vector.broadcast %select_n3A_34 : vector<1x64xf32> to vector<2048x64xf32>
    %add3A_84 = arith.addf %mul3A_82, %add3A_83 : vector<2048x64xf32>
    %mul3A_85 = arith.mulf %add3A_84, %mul3A_19 : vector<2048x64xf32>
    %add3A_86 = vector.broadcast %select_n3A_29 : vector<1x64xf32> to vector<2048x64xf32>
    %add3A_87 = arith.addf %mul3A_85, %add3A_86 : vector<2048x64xf32>
    %mul3A_88 = arith.mulf %add3A_87, %mul3A_19 : vector<2048x64xf32>
    %add3A_89 = vector.broadcast %select_n3A : vector<1x64xf32> to vector<2048x64xf32>
    %add3A_90 = arith.addf %mul3A_88, %add3A_89 : vector<2048x64xf32>
    %jit3A_91 = arith.constant 1.000000e+00 : f32
    %broadcast_in_dim3A_92 = vector.shape_cast %lt3A_22 : vector<1x64xi1> to vector<1x64xi1>
    %broadcast_in_dim3A_93 = vector.broadcast %broadcast_in_dim3A_92 : vector<1x64xi1> to vector<2048x64xi1>
    %broadcast_in_dim3A_94 = vector.broadcast %jit3A_91 : f32 to vector<2048x64xf32>
    %select_n3A_95 = arith.select %broadcast_in_dim3A_93, %broadcast_in_dim3A_94, %sub3A_18 : vector<2048x64xi1>, vector<2048x64xf32>
    %mul3A_96 = arith.mulf %add3A_90, %select_n3A_95 : vector<2048x64xf32>
    %slice3A = vector.extract_strided_slice %mul3A_96 {offsets = [0, 0], sizes = [2048, 32], strides = [1, 1]} : vector<2048x64xf32> to vector<2048x32xf32>
    %slice3A_97 = vector.extract_strided_slice %mul3A_96 {offsets = [0, 32], sizes = [2048, 32], strides = [1, 1]} : vector<2048x64xf32> to vector<2048x32xf32>
    %concatenate3A_98 = tpu.concatenate %slice3A, %slice3A, %slice3A_97, %slice3A_97 in 1 : vector<2048x32xf32>, vector<2048x32xf32>, vector<2048x32xf32>, vector<2048x32xf32> -> vector<2048x128xf32>
    %swap3A = arith.constant 0 : index
    %swap3A_99 = arith.constant 0 : index
    %swap3A_100 = vector.load %arg0[%swap3A, %swap3A_99] : memref<2048x128xf32, #tpu.memory_space<vmem>>, vector<2048x128xf32>
    tpu.vector_store %arg0[%swap3A, %swap3A_99], %concatenate3A_98 {strides = array<i32>} : memref<2048x128xf32, #tpu.memory_space<vmem>>, vector<2048x128xf32>,
    return
  }
}

module attributes {stable_mosaic.version = 14 : i64} {
  func.func @_route_kernel(%arg0: memref<2048x768xf32, #tpu.memory_space<vmem>>, %arg1: memref<96x768xf32, #tpu.memory_space<vmem>>, %arg2: memref<12x2048x1xf32, #tpu.memory_space<vmem>>, %arg3: memref<12x1x2048xf32, #tpu.memory_space<vmem>>, %arg4: memref<12x1x2048xi32, #tpu.memory_space<vmem>>) attributes {dimension_semantics = [], scalar_prefetch = 0 : i64, scratch_operands = 0 : i64, tpu.core_type = #tpu.core_type<tc>} {
    %get3A = arith.constant 0 : index
    %get3A_0 = arith.constant 0 : index
    %get3A_1 = vector.load %arg0[%get3A, %get3A_0] : memref<2048x768xf32, #tpu.memory_space<vmem>>, vector<2048x768xf32>
    %get3A_2 = arith.constant 0 : index
    %get3A_3 = arith.constant 0 : index
    %get3A_4 = vector.load %arg1[%get3A_2, %get3A_3] : memref<96x768xf32, #tpu.memory_space<vmem>>, vector<96x768xf32>
    %dot_general3A = arith.constant dense<0.000000e+00> : vector<96x2048xf32>
    %dot_general3A_5 = tpu.matmul %get3A_4, %get3A_1, %dot_general3A {dimension_numbers = #tpu.dot_dimension_numbers<[1], [1], [0], [0], [0, 0, 1, 0], [], []>, transpose_lhs_hint = false} : vector<96x768xf32>, vector<2048x768xf32>, vector<96x2048xf32> -> vector<96x2048xf32>
    %iota3A = tpu.iota {dimensions = array<i32: 0>} : vector<8x2048xi32>
    %convert_element_type3A = arith.sitofp %iota3A : vector<8x2048xi32> to vector<8x2048xf32>
    %slice3A = vector.extract_strided_slice %dot_general3A_5 {offsets = [0, 0], sizes = [8, 2048], strides = [1, 1]} : vector<96x2048xf32> to vector<8x2048xf32>
    %reduce_max3A = arith.constant dense<0xFF800000> : vector<2048xf32>
    %reduce_max3A_6 = vector.multi_reduction <maximumf>, %slice3A, %reduce_max3A [0] : vector<8x2048xf32> to vector<2048xf32>
    %broadcast_in_dim3A = vector.shape_cast %reduce_max3A_6 : vector<2048xf32> to vector<1x2048xf32>
    %eq3A = vector.broadcast %broadcast_in_dim3A : vector<1x2048xf32> to vector<8x2048xf32>
    %eq3A_7 = arith.cmpf oeq, %slice3A, %eq3A : vector<8x2048xf32>
    %jit3A = arith.constant 8.000000e+00 : f32
    %broadcast_in_dim3A_8 = vector.broadcast %jit3A : f32 to vector<8x2048xf32>
    %select_n3A = arith.select %eq3A_7, %convert_element_type3A, %broadcast_in_dim3A_8 : vector<8x2048xi1>, vector<8x2048xf32>
    %reduce_min3A = arith.constant dense<0x7F800000> : vector<2048xf32>
    %reduce_min3A_9 = vector.multi_reduction <minimumf>, %select_n3A, %reduce_min3A [0] : vector<8x2048xf32> to vector<2048xf32>
    %broadcast_in_dim3A_10 = vector.shape_cast %reduce_min3A_9 : vector<2048xf32> to vector<1x2048xf32>
    %eq3A_11 = vector.broadcast %broadcast_in_dim3A_10 : vector<1x2048xf32> to vector<8x2048xf32>
    %eq3A_12 = arith.cmpf oeq, %convert_element_type3A, %eq3A_11 : vector<8x2048xf32>
    %convert_element_type3A_13 = arith.extui %eq3A_12 : vector<8x2048xi1> to vector<8x2048xi32>
    %convert_element_type3A_14 = arith.sitofp %convert_element_type3A_13 : vector<8x2048xi32> to vector<8x2048xf32>
    %slice3A_15 = vector.extract_strided_slice %dot_general3A_5 {offsets = [8, 0], sizes = [8, 2048], strides = [1, 1]} : vector<96x2048xf32> to vector<8x2048xf32>
    %reduce_max3A_16 = arith.constant dense<0xFF800000> : vector<2048xf32>
    %reduce_max3A_17 = vector.multi_reduction <maximumf>, %slice3A_15, %reduce_max3A_16 [0] : vector<8x2048xf32> to vector<2048xf32>
    %broadcast_in_dim3A_18 = vector.shape_cast %reduce_max3A_17 : vector<2048xf32> to vector<1x2048xf32>
    %eq3A_19 = vector.broadcast %broadcast_in_dim3A_18 : vector<1x2048xf32> to vector<8x2048xf32>
    %eq3A_20 = arith.cmpf oeq, %slice3A_15, %eq3A_19 : vector<8x2048xf32>
    %jit3A_21 = arith.constant 8.000000e+00 : f32
    %broadcast_in_dim3A_22 = vector.broadcast %jit3A_21 : f32 to vector<8x2048xf32>
    %select_n3A_23 = arith.select %eq3A_20, %convert_element_type3A, %broadcast_in_dim3A_22 : vector<8x2048xi1>, vector<8x2048xf32>
    %reduce_min3A_24 = arith.constant dense<0x7F800000> : vector<2048xf32>
    %reduce_min3A_25 = vector.multi_reduction <minimumf>, %select_n3A_23, %reduce_min3A_24 [0] : vector<8x2048xf32> to vector<2048xf32>
    %broadcast_in_dim3A_26 = vector.shape_cast %reduce_min3A_25 : vector<2048xf32> to vector<1x2048xf32>
    %eq3A_27 = vector.broadcast %broadcast_in_dim3A_26 : vector<1x2048xf32> to vector<8x2048xf32>
    %eq3A_28 = arith.cmpf oeq, %convert_element_type3A, %eq3A_27 : vector<8x2048xf32>
    %convert_element_type3A_29 = arith.extui %eq3A_28 : vector<8x2048xi1> to vector<8x2048xi32>
    %convert_element_type3A_30 = arith.sitofp %convert_element_type3A_29 : vector<8x2048xi32> to vector<8x2048xf32>
    %slice3A_31 = vector.extract_strided_slice %dot_general3A_5 {offsets = [16, 0], sizes = [8, 2048], strides = [1, 1]} : vector<96x2048xf32> to vector<8x2048xf32>
    %reduce_max3A_32 = arith.constant dense<0xFF800000> : vector<2048xf32>
    %reduce_max3A_33 = vector.multi_reduction <maximumf>, %slice3A_31, %reduce_max3A_32 [0] : vector<8x2048xf32> to vector<2048xf32>
    %broadcast_in_dim3A_34 = vector.shape_cast %reduce_max3A_33 : vector<2048xf32> to vector<1x2048xf32>
    %eq3A_35 = vector.broadcast %broadcast_in_dim3A_34 : vector<1x2048xf32> to vector<8x2048xf32>
    %eq3A_36 = arith.cmpf oeq, %slice3A_31, %eq3A_35 : vector<8x2048xf32>
    %jit3A_37 = arith.constant 8.000000e+00 : f32
    %broadcast_in_dim3A_38 = vector.broadcast %jit3A_37 : f32 to vector<8x2048xf32>
    %select_n3A_39 = arith.select %eq3A_36, %convert_element_type3A, %broadcast_in_dim3A_38 : vector<8x2048xi1>, vector<8x2048xf32>
    %reduce_min3A_40 = arith.constant dense<0x7F800000> : vector<2048xf32>
    %reduce_min3A_41 = vector.multi_reduction <minimumf>, %select_n3A_39, %reduce_min3A_40 [0] : vector<8x2048xf32> to vector<2048xf32>
    %broadcast_in_dim3A_42 = vector.shape_cast %reduce_min3A_41 : vector<2048xf32> to vector<1x2048xf32>
    %eq3A_43 = vector.broadcast %broadcast_in_dim3A_42 : vector<1x2048xf32> to vector<8x2048xf32>
    %eq3A_44 = arith.cmpf oeq, %convert_element_type3A, %eq3A_43 : vector<8x2048xf32>
    %convert_element_type3A_45 = arith.extui %eq3A_44 : vector<8x2048xi1> to vector<8x2048xi32>
    %convert_element_type3A_46 = arith.sitofp %convert_element_type3A_45 : vector<8x2048xi32> to vector<8x2048xf32>
    %slice3A_47 = vector.extract_strided_slice %dot_general3A_5 {offsets = [24, 0], sizes = [8, 2048], strides = [1, 1]} : vector<96x2048xf32> to vector<8x2048xf32>
    %reduce_max3A_48 = arith.constant dense<0xFF800000> : vector<2048xf32>
    %reduce_max3A_49 = vector.multi_reduction <maximumf>, %slice3A_47, %reduce_max3A_48 [0] : vector<8x2048xf32> to vector<2048xf32>
    %broadcast_in_dim3A_50 = vector.shape_cast %reduce_max3A_49 : vector<2048xf32> to vector<1x2048xf32>
    %eq3A_51 = vector.broadcast %broadcast_in_dim3A_50 : vector<1x2048xf32> to vector<8x2048xf32>
    %eq3A_52 = arith.cmpf oeq, %slice3A_47, %eq3A_51 : vector<8x2048xf32>
    %jit3A_53 = arith.constant 8.000000e+00 : f32
    %broadcast_in_dim3A_54 = vector.broadcast %jit3A_53 : f32 to vector<8x2048xf32>
    %select_n3A_55 = arith.select %eq3A_52, %convert_element_type3A, %broadcast_in_dim3A_54 : vector<8x2048xi1>, vector<8x2048xf32>
    %reduce_min3A_56 = arith.constant dense<0x7F800000> : vector<2048xf32>
    %reduce_min3A_57 = vector.multi_reduction <minimumf>, %select_n3A_55, %reduce_min3A_56 [0] : vector<8x2048xf32> to vector<2048xf32>
    %broadcast_in_dim3A_58 = vector.shape_cast %reduce_min3A_57 : vector<2048xf32> to vector<1x2048xf32>
    %eq3A_59 = vector.broadcast %broadcast_in_dim3A_58 : vector<1x2048xf32> to vector<8x2048xf32>
    %eq3A_60 = arith.cmpf oeq, %convert_element_type3A, %eq3A_59 : vector<8x2048xf32>
    %convert_element_type3A_61 = arith.extui %eq3A_60 : vector<8x2048xi1> to vector<8x2048xi32>
    %convert_element_type3A_62 = arith.sitofp %convert_element_type3A_61 : vector<8x2048xi32> to vector<8x2048xf32>
    %slice3A_63 = vector.extract_strided_slice %dot_general3A_5 {offsets = [32, 0], sizes = [8, 2048], strides = [1, 1]} : vector<96x2048xf32> to vector<8x2048xf32>
    %reduce_max3A_64 = arith.constant dense<0xFF800000> : vector<2048xf32>
    %reduce_max3A_65 = vector.multi_reduction <maximumf>, %slice3A_63, %reduce_max3A_64 [0] : vector<8x2048xf32> to vector<2048xf32>
    %broadcast_in_dim3A_66 = vector.shape_cast %reduce_max3A_65 : vector<2048xf32> to vector<1x2048xf32>
    %eq3A_67 = vector.broadcast %broadcast_in_dim3A_66 : vector<1x2048xf32> to vector<8x2048xf32>
    %eq3A_68 = arith.cmpf oeq, %slice3A_63, %eq3A_67 : vector<8x2048xf32>
    %jit3A_69 = arith.constant 8.000000e+00 : f32
    %broadcast_in_dim3A_70 = vector.broadcast %jit3A_69 : f32 to vector<8x2048xf32>
    %select_n3A_71 = arith.select %eq3A_68, %convert_element_type3A, %broadcast_in_dim3A_70 : vector<8x2048xi1>, vector<8x2048xf32>
    %reduce_min3A_72 = arith.constant dense<0x7F800000> : vector<2048xf32>
    %reduce_min3A_73 = vector.multi_reduction <minimumf>, %select_n3A_71, %reduce_min3A_72 [0] : vector<8x2048xf32> to vector<2048xf32>
    %broadcast_in_dim3A_74 = vector.shape_cast %reduce_min3A_73 : vector<2048xf32> to vector<1x2048xf32>
    %eq3A_75 = vector.broadcast %broadcast_in_dim3A_74 : vector<1x2048xf32> to vector<8x2048xf32>
    %eq3A_76 = arith.cmpf oeq, %convert_element_type3A, %eq3A_75 : vector<8x2048xf32>
    %convert_element_type3A_77 = arith.extui %eq3A_76 : vector<8x2048xi1> to vector<8x2048xi32>
    %convert_element_type3A_78 = arith.sitofp %convert_element_type3A_77 : vector<8x2048xi32> to vector<8x2048xf32>
    %slice3A_79 = vector.extract_strided_slice %dot_general3A_5 {offsets = [40, 0], sizes = [8, 2048], strides = [1, 1]} : vector<96x2048xf32> to vector<8x2048xf32>
    %reduce_max3A_80 = arith.constant dense<0xFF800000> : vector<2048xf32>
    %reduce_max3A_81 = vector.multi_reduction <maximumf>, %slice3A_79, %reduce_max3A_80 [0] : vector<8x2048xf32> to vector<2048xf32>
    %broadcast_in_dim3A_82 = vector.shape_cast %reduce_max3A_81 : vector<2048xf32> to vector<1x2048xf32>
    %eq3A_83 = vector.broadcast %broadcast_in_dim3A_82 : vector<1x2048xf32> to vector<8x2048xf32>
    %eq3A_84 = arith.cmpf oeq, %slice3A_79, %eq3A_83 : vector<8x2048xf32>
    %jit3A_85 = arith.constant 8.000000e+00 : f32
    %broadcast_in_dim3A_86 = vector.broadcast %jit3A_85 : f32 to vector<8x2048xf32>
    %select_n3A_87 = arith.select %eq3A_84, %convert_element_type3A, %broadcast_in_dim3A_86 : vector<8x2048xi1>, vector<8x2048xf32>
    %reduce_min3A_88 = arith.constant dense<0x7F800000> : vector<2048xf32>
    %reduce_min3A_89 = vector.multi_reduction <minimumf>, %select_n3A_87, %reduce_min3A_88 [0] : vector<8x2048xf32> to vector<2048xf32>
    %broadcast_in_dim3A_90 = vector.shape_cast %reduce_min3A_89 : vector<2048xf32> to vector<1x2048xf32>
    %eq3A_91 = vector.broadcast %broadcast_in_dim3A_90 : vector<1x2048xf32> to vector<8x2048xf32>
    %eq3A_92 = arith.cmpf oeq, %convert_element_type3A, %eq3A_91 : vector<8x2048xf32>
    %convert_element_type3A_93 = arith.extui %eq3A_92 : vector<8x2048xi1> to vector<8x2048xi32>
    %convert_element_type3A_94 = arith.sitofp %convert_element_type3A_93 : vector<8x2048xi32> to vector<8x2048xf32>
    %slice3A_95 = vector.extract_strided_slice %dot_general3A_5 {offsets = [48, 0], sizes = [8, 2048], strides = [1, 1]} : vector<96x2048xf32> to vector<8x2048xf32>
    %reduce_max3A_96 = arith.constant dense<0xFF800000> : vector<2048xf32>
    %reduce_max3A_97 = vector.multi_reduction <maximumf>, %slice3A_95, %reduce_max3A_96 [0] : vector<8x2048xf32> to vector<2048xf32>
    %broadcast_in_dim3A_98 = vector.shape_cast %reduce_max3A_97 : vector<2048xf32> to vector<1x2048xf32>
    %eq3A_99 = vector.broadcast %broadcast_in_dim3A_98 : vector<1x2048xf32> to vector<8x2048xf32>
    %eq3A_100 = arith.cmpf oeq, %slice3A_95, %eq3A_99 : vector<8x2048xf32>
    %jit3A_101 = arith.constant 8.000000e+00 : f32
    %broadcast_in_dim3A_102 = vector.broadcast %jit3A_101 : f32 to vector<8x2048xf32>
    %select_n3A_103 = arith.select %eq3A_100, %convert_element_type3A, %broadcast_in_dim3A_102 : vector<8x2048xi1>, vector<8x2048xf32>
    %reduce_min3A_104 = arith.constant dense<0x7F800000> : vector<2048xf32>
    %reduce_min3A_105 = vector.multi_reduction <minimumf>, %select_n3A_103, %reduce_min3A_104 [0] : vector<8x2048xf32> to vector<2048xf32>
    %broadcast_in_dim3A_106 = vector.shape_cast %reduce_min3A_105 : vector<2048xf32> to vector<1x2048xf32>
    %eq3A_107 = vector.broadcast %broadcast_in_dim3A_106 : vector<1x2048xf32> to vector<8x2048xf32>
    %eq3A_108 = arith.cmpf oeq, %convert_element_type3A, %eq3A_107 : vector<8x2048xf32>
    %convert_element_type3A_109 = arith.extui %eq3A_108 : vector<8x2048xi1> to vector<8x2048xi32>
    %convert_element_type3A_110 = arith.sitofp %convert_element_type3A_109 : vector<8x2048xi32> to vector<8x2048xf32>
    %slice3A_111 = vector.extract_strided_slice %dot_general3A_5 {offsets = [56, 0], sizes = [8, 2048], strides = [1, 1]} : vector<96x2048xf32> to vector<8x2048xf32>
    %reduce_max3A_112 = arith.constant dense<0xFF800000> : vector<2048xf32>
    %reduce_max3A_113 = vector.multi_reduction <maximumf>, %slice3A_111, %reduce_max3A_112 [0] : vector<8x2048xf32> to vector<2048xf32>
    %broadcast_in_dim3A_114 = vector.shape_cast %reduce_max3A_113 : vector<2048xf32> to vector<1x2048xf32>
    %eq3A_115 = vector.broadcast %broadcast_in_dim3A_114 : vector<1x2048xf32> to vector<8x2048xf32>
    %eq3A_116 = arith.cmpf oeq, %slice3A_111, %eq3A_115 : vector<8x2048xf32>
    %jit3A_117 = arith.constant 8.000000e+00 : f32
    %broadcast_in_dim3A_118 = vector.broadcast %jit3A_117 : f32 to vector<8x2048xf32>
    %select_n3A_119 = arith.select %eq3A_116, %convert_element_type3A, %broadcast_in_dim3A_118 : vector<8x2048xi1>, vector<8x2048xf32>
    %reduce_min3A_120 = arith.constant dense<0x7F800000> : vector<2048xf32>
    %reduce_min3A_121 = vector.multi_reduction <minimumf>, %select_n3A_119, %reduce_min3A_120 [0] : vector<8x2048xf32> to vector<2048xf32>
    %broadcast_in_dim3A_122 = vector.shape_cast %reduce_min3A_121 : vector<2048xf32> to vector<1x2048xf32>
    %eq3A_123 = vector.broadcast %broadcast_in_dim3A_122 : vector<1x2048xf32> to vector<8x2048xf32>
    %eq3A_124 = arith.cmpf oeq, %convert_element_type3A, %eq3A_123 : vector<8x2048xf32>
    %convert_element_type3A_125 = arith.extui %eq3A_124 : vector<8x2048xi1> to vector<8x2048xi32>
    %convert_element_type3A_126 = arith.sitofp %convert_element_type3A_125 : vector<8x2048xi32> to vector<8x2048xf32>
    %slice3A_127 = vector.extract_strided_slice %dot_general3A_5 {offsets = [64, 0], sizes = [8, 2048], strides = [1, 1]} : vector<96x2048xf32> to vector<8x2048xf32>
    %reduce_max3A_128 = arith.constant dense<0xFF800000> : vector<2048xf32>
    %reduce_max3A_129 = vector.multi_reduction <maximumf>, %slice3A_127, %reduce_max3A_128 [0] : vector<8x2048xf32> to vector<2048xf32>
    %broadcast_in_dim3A_130 = vector.shape_cast %reduce_max3A_129 : vector<2048xf32> to vector<1x2048xf32>
    %eq3A_131 = vector.broadcast %broadcast_in_dim3A_130 : vector<1x2048xf32> to vector<8x2048xf32>
    %eq3A_132 = arith.cmpf oeq, %slice3A_127, %eq3A_131 : vector<8x2048xf32>
    %jit3A_133 = arith.constant 8.000000e+00 : f32
    %broadcast_in_dim3A_134 = vector.broadcast %jit3A_133 : f32 to vector<8x2048xf32>
    %select_n3A_135 = arith.select %eq3A_132, %convert_element_type3A, %broadcast_in_dim3A_134 : vector<8x2048xi1>, vector<8x2048xf32>
    %reduce_min3A_136 = arith.constant dense<0x7F800000> : vector<2048xf32>
    %reduce_min3A_137 = vector.multi_reduction <minimumf>, %select_n3A_135, %reduce_min3A_136 [0] : vector<8x2048xf32> to vector<2048xf32>
    %broadcast_in_dim3A_138 = vector.shape_cast %reduce_min3A_137 : vector<2048xf32> to vector<1x2048xf32>
    %eq3A_139 = vector.broadcast %broadcast_in_dim3A_138 : vector<1x2048xf32> to vector<8x2048xf32>
    %eq3A_140 = arith.cmpf oeq, %convert_element_type3A, %eq3A_139 : vector<8x2048xf32>
    %convert_element_type3A_141 = arith.extui %eq3A_140 : vector<8x2048xi1> to vector<8x2048xi32>
    %convert_element_type3A_142 = arith.sitofp %convert_element_type3A_141 : vector<8x2048xi32> to vector<8x2048xf32>
    %slice3A_143 = vector.extract_strided_slice %dot_general3A_5 {offsets = [72, 0], sizes = [8, 2048], strides = [1, 1]} : vector<96x2048xf32> to vector<8x2048xf32>
    %reduce_max3A_144 = arith.constant dense<0xFF800000> : vector<2048xf32>
    %reduce_max3A_145 = vector.multi_reduction <maximumf>, %slice3A_143, %reduce_max3A_144 [0] : vector<8x2048xf32> to vector<2048xf32>
    %broadcast_in_dim3A_146 = vector.shape_cast %reduce_max3A_145 : vector<2048xf32> to vector<1x2048xf32>
    %eq3A_147 = vector.broadcast %broadcast_in_dim3A_146 : vector<1x2048xf32> to vector<8x2048xf32>
    %eq3A_148 = arith.cmpf oeq, %slice3A_143, %eq3A_147 : vector<8x2048xf32>
    %jit3A_149 = arith.constant 8.000000e+00 : f32
    %broadcast_in_dim3A_150 = vector.broadcast %jit3A_149 : f32 to vector<8x2048xf32>
    %select_n3A_151 = arith.select %eq3A_148, %convert_element_type3A, %broadcast_in_dim3A_150 : vector<8x2048xi1>, vector<8x2048xf32>
    %reduce_min3A_152 = arith.constant dense<0x7F800000> : vector<2048xf32>
    %reduce_min3A_153 = vector.multi_reduction <minimumf>, %select_n3A_151, %reduce_min3A_152 [0] : vector<8x2048xf32> to vector<2048xf32>
    %broadcast_in_dim3A_154 = vector.shape_cast %reduce_min3A_153 : vector<2048xf32> to vector<1x2048xf32>
    %eq3A_155 = vector.broadcast %broadcast_in_dim3A_154 : vector<1x2048xf32> to vector<8x2048xf32>
    %eq3A_156 = arith.cmpf oeq, %convert_element_type3A, %eq3A_155 : vector<8x2048xf32>
    %convert_element_type3A_157 = arith.extui %eq3A_156 : vector<8x2048xi1> to vector<8x2048xi32>
    %convert_element_type3A_158 = arith.sitofp %convert_element_type3A_157 : vector<8x2048xi32> to vector<8x2048xf32>
    %slice3A_159 = vector.extract_strided_slice %dot_general3A_5 {offsets = [80, 0], sizes = [8, 2048], strides = [1, 1]} : vector<96x2048xf32> to vector<8x2048xf32>
    %reduce_max3A_160 = arith.constant dense<0xFF800000> : vector<2048xf32>
    %reduce_max3A_161 = vector.multi_reduction <maximumf>, %slice3A_159, %reduce_max3A_160 [0] : vector<8x2048xf32> to vector<2048xf32>
    %broadcast_in_dim3A_162 = vector.shape_cast %reduce_max3A_161 : vector<2048xf32> to vector<1x2048xf32>
    %eq3A_163 = vector.broadcast %broadcast_in_dim3A_162 : vector<1x2048xf32> to vector<8x2048xf32>
    %eq3A_164 = arith.cmpf oeq, %slice3A_159, %eq3A_163 : vector<8x2048xf32>
    %jit3A_165 = arith.constant 8.000000e+00 : f32
    %broadcast_in_dim3A_166 = vector.broadcast %jit3A_165 : f32 to vector<8x2048xf32>
    %select_n3A_167 = arith.select %eq3A_164, %convert_element_type3A, %broadcast_in_dim3A_166 : vector<8x2048xi1>, vector<8x2048xf32>
    %reduce_min3A_168 = arith.constant dense<0x7F800000> : vector<2048xf32>
    %reduce_min3A_169 = vector.multi_reduction <minimumf>, %select_n3A_167, %reduce_min3A_168 [0] : vector<8x2048xf32> to vector<2048xf32>
    %broadcast_in_dim3A_170 = vector.shape_cast %reduce_min3A_169 : vector<2048xf32> to vector<1x2048xf32>
    %eq3A_171 = vector.broadcast %broadcast_in_dim3A_170 : vector<1x2048xf32> to vector<8x2048xf32>
    %eq3A_172 = arith.cmpf oeq, %convert_element_type3A, %eq3A_171 : vector<8x2048xf32>
    %convert_element_type3A_173 = arith.extui %eq3A_172 : vector<8x2048xi1> to vector<8x2048xi32>
    %convert_element_type3A_174 = arith.sitofp %convert_element_type3A_173 : vector<8x2048xi32> to vector<8x2048xf32>
    %slice3A_175 = vector.extract_strided_slice %dot_general3A_5 {offsets = [88, 0], sizes = [8, 2048], strides = [1, 1]} : vector<96x2048xf32> to vector<8x2048xf32>
    %reduce_max3A_176 = arith.constant dense<0xFF800000> : vector<2048xf32>
    %reduce_max3A_177 = vector.multi_reduction <maximumf>, %slice3A_175, %reduce_max3A_176 [0] : vector<8x2048xf32> to vector<2048xf32>
    %broadcast_in_dim3A_178 = vector.shape_cast %reduce_max3A_177 : vector<2048xf32> to vector<1x2048xf32>
    %eq3A_179 = vector.broadcast %broadcast_in_dim3A_178 : vector<1x2048xf32> to vector<8x2048xf32>
    %eq3A_180 = arith.cmpf oeq, %slice3A_175, %eq3A_179 : vector<8x2048xf32>
    %jit3A_181 = arith.constant 8.000000e+00 : f32
    %broadcast_in_dim3A_182 = vector.broadcast %jit3A_181 : f32 to vector<8x2048xf32>
    %select_n3A_183 = arith.select %eq3A_180, %convert_element_type3A, %broadcast_in_dim3A_182 : vector<8x2048xi1>, vector<8x2048xf32>
    %reduce_min3A_184 = arith.constant dense<0x7F800000> : vector<2048xf32>
    %reduce_min3A_185 = vector.multi_reduction <minimumf>, %select_n3A_183, %reduce_min3A_184 [0] : vector<8x2048xf32> to vector<2048xf32>
    %broadcast_in_dim3A_186 = vector.shape_cast %reduce_min3A_185 : vector<2048xf32> to vector<1x2048xf32>
    %eq3A_187 = vector.broadcast %broadcast_in_dim3A_186 : vector<1x2048xf32> to vector<8x2048xf32>
    %eq3A_188 = arith.cmpf oeq, %convert_element_type3A, %eq3A_187 : vector<8x2048xf32>
    %convert_element_type3A_189 = arith.extui %eq3A_188 : vector<8x2048xi1> to vector<8x2048xi32>
    %convert_element_type3A_190 = arith.sitofp %convert_element_type3A_189 : vector<8x2048xi32> to vector<8x2048xf32>
    %concatenate3A = tpu.concatenate %convert_element_type3A_14, %convert_element_type3A_30, %convert_element_type3A_46, %convert_element_type3A_62, %convert_element_type3A_78, %convert_element_type3A_94, %convert_element_type3A_110, %convert_element_type3A_126, %convert_element_type3A_142, %convert_element_type3A_158, %convert_element_type3A_174, %convert_element_type3A_190 in 0 : vector<8x2048xf32>, vector<8x2048xf32>, vector<8x2048xf32>, vector<8x2048xf32>, vector<8x2048xf32>, vector<8x2048xf32>, vector<8x2048xf32>, vector<8x2048xf32>, vector<8x2048xf32>, vector<8x2048xf32>, vector<8x2048xf32>, vector<8x2048xf32> -> vector<96x2048xf32>
    %broadcast_in_dim3A_191 = arith.constant 0.000000e+00 : f32
    %broadcast_in_dim3A_192 = vector.broadcast %broadcast_in_dim3A_191 : f32 to vector<96x1xf32>
    %slice3A_193 = vector.extract_strided_slice %concatenate3A {offsets = [0, 0], sizes = [96, 2047], strides = [1, 1]} : vector<96x2048xf32> to vector<96x2047xf32>
    %concatenate3A_194 = tpu.concatenate %broadcast_in_dim3A_192, %slice3A_193 in 1 : vector<96x1xf32>, vector<96x2047xf32> -> vector<96x2048xf32>
    %add3A = arith.addf %concatenate3A, %concatenate3A_194 : vector<96x2048xf32>
    %broadcast_in_dim3A_195 = arith.constant 0.000000e+00 : f32
    %broadcast_in_dim3A_196 = vector.broadcast %broadcast_in_dim3A_195 : f32 to vector<96x2xf32>
    %slice3A_197 = vector.extract_strided_slice %add3A {offsets = [0, 0], sizes = [96, 2046], strides = [1, 1]} : vector<96x2048xf32> to vector<96x2046xf32>
    %concatenate3A_198 = tpu.concatenate %broadcast_in_dim3A_196, %slice3A_197 in 1 : vector<96x2xf32>, vector<96x2046xf32> -> vector<96x2048xf32>
    %add3A_199 = arith.addf %add3A, %concatenate3A_198 : vector<96x2048xf32>
    %broadcast_in_dim3A_200 = arith.constant 0.000000e+00 : f32
    %broadcast_in_dim3A_201 = vector.broadcast %broadcast_in_dim3A_200 : f32 to vector<96x4xf32>
    %slice3A_202 = vector.extract_strided_slice %add3A_199 {offsets = [0, 0], sizes = [96, 2044], strides = [1, 1]} : vector<96x2048xf32> to vector<96x2044xf32>
    %concatenate3A_203 = tpu.concatenate %broadcast_in_dim3A_201, %slice3A_202 in 1 : vector<96x4xf32>, vector<96x2044xf32> -> vector<96x2048xf32>
    %add3A_204 = arith.addf %add3A_199, %concatenate3A_203 : vector<96x2048xf32>
    %broadcast_in_dim3A_205 = arith.constant 0.000000e+00 : f32
    %broadcast_in_dim3A_206 = vector.broadcast %broadcast_in_dim3A_205 : f32 to vector<96x8xf32>
    %slice3A_207 = vector.extract_strided_slice %add3A_204 {offsets = [0, 0], sizes = [96, 2040], strides = [1, 1]} : vector<96x2048xf32> to vector<96x2040xf32>
    %concatenate3A_208 = tpu.concatenate %broadcast_in_dim3A_206, %slice3A_207 in 1 : vector<96x8xf32>, vector<96x2040xf32> -> vector<96x2048xf32>
    %add3A_209 = arith.addf %add3A_204, %concatenate3A_208 : vector<96x2048xf32>
    %broadcast_in_dim3A_210 = arith.constant 0.000000e+00 : f32
    %broadcast_in_dim3A_211 = vector.broadcast %broadcast_in_dim3A_210 : f32 to vector<96x16xf32>
    %slice3A_212 = vector.extract_strided_slice %add3A_209 {offsets = [0, 0], sizes = [96, 2032], strides = [1, 1]} : vector<96x2048xf32> to vector<96x2032xf32>
    %concatenate3A_213 = tpu.concatenate %broadcast_in_dim3A_211, %slice3A_212 in 1 : vector<96x16xf32>, vector<96x2032xf32> -> vector<96x2048xf32>
    %add3A_214 = arith.addf %add3A_209, %concatenate3A_213 : vector<96x2048xf32>
    %broadcast_in_dim3A_215 = arith.constant 0.000000e+00 : f32
    %broadcast_in_dim3A_216 = vector.broadcast %broadcast_in_dim3A_215 : f32 to vector<96x32xf32>
    %slice3A_217 = vector.extract_strided_slice %add3A_214 {offsets = [0, 0], sizes = [96, 2016], strides = [1, 1]} : vector<96x2048xf32> to vector<96x2016xf32>
    %concatenate3A_218 = tpu.concatenate %broadcast_in_dim3A_216, %slice3A_217 in 1 : vector<96x32xf32>, vector<96x2016xf32> -> vector<96x2048xf32>
    %add3A_219 = arith.addf %add3A_214, %concatenate3A_218 : vector<96x2048xf32>
    %broadcast_in_dim3A_220 = arith.constant 0.000000e+00 : f32
    %broadcast_in_dim3A_221 = vector.broadcast %broadcast_in_dim3A_220 : f32 to vector<96x64xf32>
    %slice3A_222 = vector.extract_strided_slice %add3A_219 {offsets = [0, 0], sizes = [96, 1984], strides = [1, 1]} : vector<96x2048xf32> to vector<96x1984xf32>
    %concatenate3A_223 = tpu.concatenate %broadcast_in_dim3A_221, %slice3A_222 in 1 : vector<96x64xf32>, vector<96x1984xf32> -> vector<96x2048xf32>
    %add3A_224 = arith.addf %add3A_219, %concatenate3A_223 : vector<96x2048xf32>
    %broadcast_in_dim3A_225 = arith.constant 0.000000e+00 : f32
    %broadcast_in_dim3A_226 = vector.broadcast %broadcast_in_dim3A_225 : f32 to vector<96x128xf32>
    %slice3A_227 = vector.extract_strided_slice %add3A_224 {offsets = [0, 0], sizes = [96, 1920], strides = [1, 1]} : vector<96x2048xf32> to vector<96x1920xf32>
    %concatenate3A_228 = tpu.concatenate %broadcast_in_dim3A_226, %slice3A_227 in 1 : vector<96x128xf32>, vector<96x1920xf32> -> vector<96x2048xf32>
    %add3A_229 = arith.addf %add3A_224, %concatenate3A_228 : vector<96x2048xf32>
    %broadcast_in_dim3A_230 = arith.constant 0.000000e+00 : f32
    %broadcast_in_dim3A_231 = vector.broadcast %broadcast_in_dim3A_230 : f32 to vector<96x256xf32>
    %slice3A_232 = vector.extract_strided_slice %add3A_229 {offsets = [0, 0], sizes = [96, 1792], strides = [1, 1]} : vector<96x2048xf32> to vector<96x1792xf32>
    %concatenate3A_233 = tpu.concatenate %broadcast_in_dim3A_231, %slice3A_232 in 1 : vector<96x256xf32>, vector<96x1792xf32> -> vector<96x2048xf32>
    %add3A_234 = arith.addf %add3A_229, %concatenate3A_233 : vector<96x2048xf32>
    %broadcast_in_dim3A_235 = arith.constant 0.000000e+00 : f32
    %broadcast_in_dim3A_236 = vector.broadcast %broadcast_in_dim3A_235 : f32 to vector<96x512xf32>
    %slice3A_237 = vector.extract_strided_slice %add3A_234 {offsets = [0, 0], sizes = [96, 1536], strides = [1, 1]} : vector<96x2048xf32> to vector<96x1536xf32>
    %concatenate3A_238 = tpu.concatenate %broadcast_in_dim3A_236, %slice3A_237 in 1 : vector<96x512xf32>, vector<96x1536xf32> -> vector<96x2048xf32>
    %add3A_239 = arith.addf %add3A_234, %concatenate3A_238 : vector<96x2048xf32>
    %broadcast_in_dim3A_240 = arith.constant 0.000000e+00 : f32
    %broadcast_in_dim3A_241 = vector.broadcast %broadcast_in_dim3A_240 : f32 to vector<96x1024xf32>
    %slice3A_242 = vector.extract_strided_slice %add3A_239 {offsets = [0, 0], sizes = [96, 1024], strides = [1, 1]} : vector<96x2048xf32> to vector<96x1024xf32>
    %concatenate3A_243 = tpu.concatenate %broadcast_in_dim3A_241, %slice3A_242 in 1 : vector<96x1024xf32>, vector<96x1024xf32> -> vector<96x2048xf32>
    %add3A_244 = arith.addf %add3A_239, %concatenate3A_243 : vector<96x2048xf32>
    %mul3A = arith.mulf %concatenate3A, %add3A_244 : vector<96x2048xf32>
    %slice3A_245 = vector.extract_strided_slice %mul3A {offsets = [0, 0], sizes = [8, 2048], strides = [1, 1]} : vector<96x2048xf32> to vector<8x2048xf32>
    %reduce_sum3A = arith.constant dense<0.000000e+00> : vector<2048xf32>
    %reduce_sum3A_246 = vector.multi_reduction <add>, %slice3A_245, %reduce_sum3A [0] : vector<8x2048xf32> to vector<2048xf32>
    %broadcast_in_dim3A_247 = vector.shape_cast %reduce_sum3A_246 : vector<2048xf32> to vector<1x2048xf32>
    %sub3A = arith.constant 1.000000e+00 : f32
    %sub3A_248 = vector.broadcast %sub3A : f32 to vector<1x2048xf32>
    %sub3A_249 = arith.subf %broadcast_in_dim3A_247, %sub3A_248 : vector<1x2048xf32>
    %swap3A = arith.constant 0 : index
    %swap3A_250 = arith.constant 0 : index
    %swap3A_251 = arith.constant 0 : index
    %swap3A_252 = vector.load %arg3[%swap3A, %swap3A_250, %swap3A_251] : memref<12x1x2048xf32, #tpu.memory_space<vmem>>, vector<1x1x2048xf32>
    %swap3A_253 = vector.shape_cast %swap3A_252 : vector<1x1x2048xf32> to vector<1x2048xf32>
    %swap3A_254 = vector.shape_cast %broadcast_in_dim3A_10 : vector<1x2048xf32> to vector<1x1x2048xf32>
    tpu.vector_store %arg3[%swap3A, %swap3A_250, %swap3A_251], %swap3A_254 {strides = array<i32>} : memref<12x1x2048xf32, #tpu.memory_space<vmem>>, vector<1x1x2048xf32>,
    %transpose3A = tpu.transpose %broadcast_in_dim3A_10, [1, 0] : vector<1x2048xf32> -> vector<2048x1xf32>
    %swap3A_255 = arith.constant 0 : index
    %swap3A_256 = arith.constant 0 : index
    %swap3A_257 = arith.constant 0 : index
    %swap3A_258 = vector.load %arg2[%swap3A_255, %swap3A_256, %swap3A_257] : memref<12x2048x1xf32, #tpu.memory_space<vmem>>, vector<1x2048x1xf32>
    %swap3A_259 = vector.shape_cast %swap3A_258 : vector<1x2048x1xf32> to vector<2048x1xf32>
    %swap3A_260 = vector.shape_cast %transpose3A : vector<2048x1xf32> to vector<1x2048x1xf32>
    tpu.vector_store %arg2[%swap3A_255, %swap3A_256, %swap3A_257], %swap3A_260 {strides = array<i32>} : memref<12x2048x1xf32, #tpu.memory_space<vmem>>, vector<1x2048x1xf32>,
    %convert_element_type3A_261 = arith.fptosi %sub3A_249 : vector<1x2048xf32> to vector<1x2048xi32>
    %swap3A_262 = arith.constant 0 : index
    %swap3A_263 = arith.constant 0 : index
    %swap3A_264 = arith.constant 0 : index
    %swap3A_265 = vector.load %arg4[%swap3A_262, %swap3A_263, %swap3A_264] : memref<12x1x2048xi32, #tpu.memory_space<vmem>>, vector<1x1x2048xi32>
    %swap3A_266 = vector.shape_cast %swap3A_265 : vector<1x1x2048xi32> to vector<1x2048xi32>
    %swap3A_267 = vector.shape_cast %convert_element_type3A_261 : vector<1x2048xi32> to vector<1x1x2048xi32>
    tpu.vector_store %arg4[%swap3A_262, %swap3A_263, %swap3A_264], %swap3A_267 {strides = array<i32>} : memref<12x1x2048xi32, #tpu.memory_space<vmem>>, vector<1x1x2048xi32>,
    %slice3A_268 = vector.extract_strided_slice %mul3A {offsets = [8, 0], sizes = [8, 2048], strides = [1, 1]} : vector<96x2048xf32> to vector<8x2048xf32>
    %reduce_sum3A_269 = arith.constant dense<0.000000e+00> : vector<2048xf32>
    %reduce_sum3A_270 = vector.multi_reduction <add>, %slice3A_268, %reduce_sum3A_269 [0] : vector<8x2048xf32> to vector<2048xf32>
    %broadcast_in_dim3A_271 = vector.shape_cast %reduce_sum3A_270 : vector<2048xf32> to vector<1x2048xf32>
    %sub3A_272 = arith.constant 1.000000e+00 : f32
    %sub3A_273 = vector.broadcast %sub3A_272 : f32 to vector<1x2048xf32>
    %sub3A_274 = arith.subf %broadcast_in_dim3A_271, %sub3A_273 : vector<1x2048xf32>
    %swap3A_275 = arith.constant 1 : index
    %swap3A_276 = arith.constant 0 : index
    %swap3A_277 = arith.constant 0 : index
    %swap3A_278 = vector.load %arg3[%swap3A_275, %swap3A_276, %swap3A_277] : memref<12x1x2048xf32, #tpu.memory_space<vmem>>, vector<1x1x2048xf32>
    %swap3A_279 = vector.shape_cast %swap3A_278 : vector<1x1x2048xf32> to vector<1x2048xf32>
    %swap3A_280 = vector.shape_cast %broadcast_in_dim3A_26 : vector<1x2048xf32> to vector<1x1x2048xf32>
    tpu.vector_store %arg3[%swap3A_275, %swap3A_276, %swap3A_277], %swap3A_280 {strides = array<i32>} : memref<12x1x2048xf32, #tpu.memory_space<vmem>>, vector<1x1x2048xf32>,
    %transpose3A_281 = tpu.transpose %broadcast_in_dim3A_26, [1, 0] : vector<1x2048xf32> -> vector<2048x1xf32>
    %swap3A_282 = arith.constant 1 : index
    %swap3A_283 = arith.constant 0 : index
    %swap3A_284 = arith.constant 0 : index
    %swap3A_285 = vector.load %arg2[%swap3A_282, %swap3A_283, %swap3A_284] : memref<12x2048x1xf32, #tpu.memory_space<vmem>>, vector<1x2048x1xf32>
    %swap3A_286 = vector.shape_cast %swap3A_285 : vector<1x2048x1xf32> to vector<2048x1xf32>
    %swap3A_287 = vector.shape_cast %transpose3A_281 : vector<2048x1xf32> to vector<1x2048x1xf32>
    tpu.vector_store %arg2[%swap3A_282, %swap3A_283, %swap3A_284], %swap3A_287 {strides = array<i32>} : memref<12x2048x1xf32, #tpu.memory_space<vmem>>, vector<1x2048x1xf32>,
    %convert_element_type3A_288 = arith.fptosi %sub3A_274 : vector<1x2048xf32> to vector<1x2048xi32>
    %swap3A_289 = arith.constant 1 : index
    %swap3A_290 = arith.constant 0 : index
    %swap3A_291 = arith.constant 0 : index
    %swap3A_292 = vector.load %arg4[%swap3A_289, %swap3A_290, %swap3A_291] : memref<12x1x2048xi32, #tpu.memory_space<vmem>>, vector<1x1x2048xi32>
    %swap3A_293 = vector.shape_cast %swap3A_292 : vector<1x1x2048xi32> to vector<1x2048xi32>
    %swap3A_294 = vector.shape_cast %convert_element_type3A_288 : vector<1x2048xi32> to vector<1x1x2048xi32>
    tpu.vector_store %arg4[%swap3A_289, %swap3A_290, %swap3A_291], %swap3A_294 {strides = array<i32>} : memref<12x1x2048xi32, #tpu.memory_space<vmem>>, vector<1x1x2048xi32>,
    %slice3A_295 = vector.extract_strided_slice %mul3A {offsets = [16, 0], sizes = [8, 2048], strides = [1, 1]} : vector<96x2048xf32> to vector<8x2048xf32>
    %reduce_sum3A_296 = arith.constant dense<0.000000e+00> : vector<2048xf32>
    %reduce_sum3A_297 = vector.multi_reduction <add>, %slice3A_295, %reduce_sum3A_296 [0] : vector<8x2048xf32> to vector<2048xf32>
    %broadcast_in_dim3A_298 = vector.shape_cast %reduce_sum3A_297 : vector<2048xf32> to vector<1x2048xf32>
    %sub3A_299 = arith.constant 1.000000e+00 : f32
    %sub3A_300 = vector.broadcast %sub3A_299 : f32 to vector<1x2048xf32>
    %sub3A_301 = arith.subf %broadcast_in_dim3A_298, %sub3A_300 : vector<1x2048xf32>
    %swap3A_302 = arith.constant 2 : index
    %swap3A_303 = arith.constant 0 : index
    %swap3A_304 = arith.constant 0 : index
    %swap3A_305 = vector.load %arg3[%swap3A_302, %swap3A_303, %swap3A_304] : memref<12x1x2048xf32, #tpu.memory_space<vmem>>, vector<1x1x2048xf32>
    %swap3A_306 = vector.shape_cast %swap3A_305 : vector<1x1x2048xf32> to vector<1x2048xf32>
    %swap3A_307 = vector.shape_cast %broadcast_in_dim3A_42 : vector<1x2048xf32> to vector<1x1x2048xf32>
    tpu.vector_store %arg3[%swap3A_302, %swap3A_303, %swap3A_304], %swap3A_307 {strides = array<i32>} : memref<12x1x2048xf32, #tpu.memory_space<vmem>>, vector<1x1x2048xf32>,
    %transpose3A_308 = tpu.transpose %broadcast_in_dim3A_42, [1, 0] : vector<1x2048xf32> -> vector<2048x1xf32>
    %swap3A_309 = arith.constant 2 : index
    %swap3A_310 = arith.constant 0 : index
    %swap3A_311 = arith.constant 0 : index
    %swap3A_312 = vector.load %arg2[%swap3A_309, %swap3A_310, %swap3A_311] : memref<12x2048x1xf32, #tpu.memory_space<vmem>>, vector<1x2048x1xf32>
    %swap3A_313 = vector.shape_cast %swap3A_312 : vector<1x2048x1xf32> to vector<2048x1xf32>
    %swap3A_314 = vector.shape_cast %transpose3A_308 : vector<2048x1xf32> to vector<1x2048x1xf32>
    tpu.vector_store %arg2[%swap3A_309, %swap3A_310, %swap3A_311], %swap3A_314 {strides = array<i32>} : memref<12x2048x1xf32, #tpu.memory_space<vmem>>, vector<1x2048x1xf32>,
    %convert_element_type3A_315 = arith.fptosi %sub3A_301 : vector<1x2048xf32> to vector<1x2048xi32>
    %swap3A_316 = arith.constant 2 : index
    %swap3A_317 = arith.constant 0 : index
    %swap3A_318 = arith.constant 0 : index
    %swap3A_319 = vector.load %arg4[%swap3A_316, %swap3A_317, %swap3A_318] : memref<12x1x2048xi32, #tpu.memory_space<vmem>>, vector<1x1x2048xi32>
    %swap3A_320 = vector.shape_cast %swap3A_319 : vector<1x1x2048xi32> to vector<1x2048xi32>
    %swap3A_321 = vector.shape_cast %convert_element_type3A_315 : vector<1x2048xi32> to vector<1x1x2048xi32>
    tpu.vector_store %arg4[%swap3A_316, %swap3A_317, %swap3A_318], %swap3A_321 {strides = array<i32>} : memref<12x1x2048xi32, #tpu.memory_space<vmem>>, vector<1x1x2048xi32>,
    %slice3A_322 = vector.extract_strided_slice %mul3A {offsets = [24, 0], sizes = [8, 2048], strides = [1, 1]} : vector<96x2048xf32> to vector<8x2048xf32>
    %reduce_sum3A_323 = arith.constant dense<0.000000e+00> : vector<2048xf32>
    %reduce_sum3A_324 = vector.multi_reduction <add>, %slice3A_322, %reduce_sum3A_323 [0] : vector<8x2048xf32> to vector<2048xf32>
    %broadcast_in_dim3A_325 = vector.shape_cast %reduce_sum3A_324 : vector<2048xf32> to vector<1x2048xf32>
    %sub3A_326 = arith.constant 1.000000e+00 : f32
    %sub3A_327 = vector.broadcast %sub3A_326 : f32 to vector<1x2048xf32>
    %sub3A_328 = arith.subf %broadcast_in_dim3A_325, %sub3A_327 : vector<1x2048xf32>
    %swap3A_329 = arith.constant 3 : index
    %swap3A_330 = arith.constant 0 : index
    %swap3A_331 = arith.constant 0 : index
    %swap3A_332 = vector.load %arg3[%swap3A_329, %swap3A_330, %swap3A_331] : memref<12x1x2048xf32, #tpu.memory_space<vmem>>, vector<1x1x2048xf32>
    %swap3A_333 = vector.shape_cast %swap3A_332 : vector<1x1x2048xf32> to vector<1x2048xf32>
    %swap3A_334 = vector.shape_cast %broadcast_in_dim3A_58 : vector<1x2048xf32> to vector<1x1x2048xf32>
    tpu.vector_store %arg3[%swap3A_329, %swap3A_330, %swap3A_331], %swap3A_334 {strides = array<i32>} : memref<12x1x2048xf32, #tpu.memory_space<vmem>>, vector<1x1x2048xf32>,
    %transpose3A_335 = tpu.transpose %broadcast_in_dim3A_58, [1, 0] : vector<1x2048xf32> -> vector<2048x1xf32>
    %swap3A_336 = arith.constant 3 : index
    %swap3A_337 = arith.constant 0 : index
    %swap3A_338 = arith.constant 0 : index
    %swap3A_339 = vector.load %arg2[%swap3A_336, %swap3A_337, %swap3A_338] : memref<12x2048x1xf32, #tpu.memory_space<vmem>>, vector<1x2048x1xf32>
    %swap3A_340 = vector.shape_cast %swap3A_339 : vector<1x2048x1xf32> to vector<2048x1xf32>
    %swap3A_341 = vector.shape_cast %transpose3A_335 : vector<2048x1xf32> to vector<1x2048x1xf32>
    tpu.vector_store %arg2[%swap3A_336, %swap3A_337, %swap3A_338], %swap3A_341 {strides = array<i32>} : memref<12x2048x1xf32, #tpu.memory_space<vmem>>, vector<1x2048x1xf32>,
    %convert_element_type3A_342 = arith.fptosi %sub3A_328 : vector<1x2048xf32> to vector<1x2048xi32>
    %swap3A_343 = arith.constant 3 : index
    %swap3A_344 = arith.constant 0 : index
    %swap3A_345 = arith.constant 0 : index
    %swap3A_346 = vector.load %arg4[%swap3A_343, %swap3A_344, %swap3A_345] : memref<12x1x2048xi32, #tpu.memory_space<vmem>>, vector<1x1x2048xi32>
    %swap3A_347 = vector.shape_cast %swap3A_346 : vector<1x1x2048xi32> to vector<1x2048xi32>
    %swap3A_348 = vector.shape_cast %convert_element_type3A_342 : vector<1x2048xi32> to vector<1x1x2048xi32>
    tpu.vector_store %arg4[%swap3A_343, %swap3A_344, %swap3A_345], %swap3A_348 {strides = array<i32>} : memref<12x1x2048xi32, #tpu.memory_space<vmem>>, vector<1x1x2048xi32>,
    %slice3A_349 = vector.extract_strided_slice %mul3A {offsets = [32, 0], sizes = [8, 2048], strides = [1, 1]} : vector<96x2048xf32> to vector<8x2048xf32>
    %reduce_sum3A_350 = arith.constant dense<0.000000e+00> : vector<2048xf32>
    %reduce_sum3A_351 = vector.multi_reduction <add>, %slice3A_349, %reduce_sum3A_350 [0] : vector<8x2048xf32> to vector<2048xf32>
    %broadcast_in_dim3A_352 = vector.shape_cast %reduce_sum3A_351 : vector<2048xf32> to vector<1x2048xf32>
    %sub3A_353 = arith.constant 1.000000e+00 : f32
    %sub3A_354 = vector.broadcast %sub3A_353 : f32 to vector<1x2048xf32>
    %sub3A_355 = arith.subf %broadcast_in_dim3A_352, %sub3A_354 : vector<1x2048xf32>
    %swap3A_356 = arith.constant 4 : index
    %swap3A_357 = arith.constant 0 : index
    %swap3A_358 = arith.constant 0 : index
    %swap3A_359 = vector.load %arg3[%swap3A_356, %swap3A_357, %swap3A_358] : memref<12x1x2048xf32, #tpu.memory_space<vmem>>, vector<1x1x2048xf32>
    %swap3A_360 = vector.shape_cast %swap3A_359 : vector<1x1x2048xf32> to vector<1x2048xf32>
    %swap3A_361 = vector.shape_cast %broadcast_in_dim3A_74 : vector<1x2048xf32> to vector<1x1x2048xf32>
    tpu.vector_store %arg3[%swap3A_356, %swap3A_357, %swap3A_358], %swap3A_361 {strides = array<i32>} : memref<12x1x2048xf32, #tpu.memory_space<vmem>>, vector<1x1x2048xf32>,
    %transpose3A_362 = tpu.transpose %broadcast_in_dim3A_74, [1, 0] : vector<1x2048xf32> -> vector<2048x1xf32>
    %swap3A_363 = arith.constant 4 : index
    %swap3A_364 = arith.constant 0 : index
    %swap3A_365 = arith.constant 0 : index
    %swap3A_366 = vector.load %arg2[%swap3A_363, %swap3A_364, %swap3A_365] : memref<12x2048x1xf32, #tpu.memory_space<vmem>>, vector<1x2048x1xf32>
    %swap3A_367 = vector.shape_cast %swap3A_366 : vector<1x2048x1xf32> to vector<2048x1xf32>
    %swap3A_368 = vector.shape_cast %transpose3A_362 : vector<2048x1xf32> to vector<1x2048x1xf32>
    tpu.vector_store %arg2[%swap3A_363, %swap3A_364, %swap3A_365], %swap3A_368 {strides = array<i32>} : memref<12x2048x1xf32, #tpu.memory_space<vmem>>, vector<1x2048x1xf32>,
    %convert_element_type3A_369 = arith.fptosi %sub3A_355 : vector<1x2048xf32> to vector<1x2048xi32>
    %swap3A_370 = arith.constant 4 : index
    %swap3A_371 = arith.constant 0 : index
    %swap3A_372 = arith.constant 0 : index
    %swap3A_373 = vector.load %arg4[%swap3A_370, %swap3A_371, %swap3A_372] : memref<12x1x2048xi32, #tpu.memory_space<vmem>>, vector<1x1x2048xi32>
    %swap3A_374 = vector.shape_cast %swap3A_373 : vector<1x1x2048xi32> to vector<1x2048xi32>
    %swap3A_375 = vector.shape_cast %convert_element_type3A_369 : vector<1x2048xi32> to vector<1x1x2048xi32>
    tpu.vector_store %arg4[%swap3A_370, %swap3A_371, %swap3A_372], %swap3A_375 {strides = array<i32>} : memref<12x1x2048xi32, #tpu.memory_space<vmem>>, vector<1x1x2048xi32>,
    %slice3A_376 = vector.extract_strided_slice %mul3A {offsets = [40, 0], sizes = [8, 2048], strides = [1, 1]} : vector<96x2048xf32> to vector<8x2048xf32>
    %reduce_sum3A_377 = arith.constant dense<0.000000e+00> : vector<2048xf32>
    %reduce_sum3A_378 = vector.multi_reduction <add>, %slice3A_376, %reduce_sum3A_377 [0] : vector<8x2048xf32> to vector<2048xf32>
    %broadcast_in_dim3A_379 = vector.shape_cast %reduce_sum3A_378 : vector<2048xf32> to vector<1x2048xf32>
    %sub3A_380 = arith.constant 1.000000e+00 : f32
    %sub3A_381 = vector.broadcast %sub3A_380 : f32 to vector<1x2048xf32>
    %sub3A_382 = arith.subf %broadcast_in_dim3A_379, %sub3A_381 : vector<1x2048xf32>
    %swap3A_383 = arith.constant 5 : index
    %swap3A_384 = arith.constant 0 : index
    %swap3A_385 = arith.constant 0 : index
    %swap3A_386 = vector.load %arg3[%swap3A_383, %swap3A_384, %swap3A_385] : memref<12x1x2048xf32, #tpu.memory_space<vmem>>, vector<1x1x2048xf32>
    %swap3A_387 = vector.shape_cast %swap3A_386 : vector<1x1x2048xf32> to vector<1x2048xf32>
    %swap3A_388 = vector.shape_cast %broadcast_in_dim3A_90 : vector<1x2048xf32> to vector<1x1x2048xf32>
    tpu.vector_store %arg3[%swap3A_383, %swap3A_384, %swap3A_385], %swap3A_388 {strides = array<i32>} : memref<12x1x2048xf32, #tpu.memory_space<vmem>>, vector<1x1x2048xf32>,
    %transpose3A_389 = tpu.transpose %broadcast_in_dim3A_90, [1, 0] : vector<1x2048xf32> -> vector<2048x1xf32>
    %swap3A_390 = arith.constant 5 : index
    %swap3A_391 = arith.constant 0 : index
    %swap3A_392 = arith.constant 0 : index
    %swap3A_393 = vector.load %arg2[%swap3A_390, %swap3A_391, %swap3A_392] : memref<12x2048x1xf32, #tpu.memory_space<vmem>>, vector<1x2048x1xf32>
    %swap3A_394 = vector.shape_cast %swap3A_393 : vector<1x2048x1xf32> to vector<2048x1xf32>
    %swap3A_395 = vector.shape_cast %transpose3A_389 : vector<2048x1xf32> to vector<1x2048x1xf32>
    tpu.vector_store %arg2[%swap3A_390, %swap3A_391, %swap3A_392], %swap3A_395 {strides = array<i32>} : memref<12x2048x1xf32, #tpu.memory_space<vmem>>, vector<1x2048x1xf32>,
    %convert_element_type3A_396 = arith.fptosi %sub3A_382 : vector<1x2048xf32> to vector<1x2048xi32>
    %swap3A_397 = arith.constant 5 : index
    %swap3A_398 = arith.constant 0 : index
    %swap3A_399 = arith.constant 0 : index
    %swap3A_400 = vector.load %arg4[%swap3A_397, %swap3A_398, %swap3A_399] : memref<12x1x2048xi32, #tpu.memory_space<vmem>>, vector<1x1x2048xi32>
    %swap3A_401 = vector.shape_cast %swap3A_400 : vector<1x1x2048xi32> to vector<1x2048xi32>
    %swap3A_402 = vector.shape_cast %convert_element_type3A_396 : vector<1x2048xi32> to vector<1x1x2048xi32>
    tpu.vector_store %arg4[%swap3A_397, %swap3A_398, %swap3A_399], %swap3A_402 {strides = array<i32>} : memref<12x1x2048xi32, #tpu.memory_space<vmem>>, vector<1x1x2048xi32>,
    %slice3A_403 = vector.extract_strided_slice %mul3A {offsets = [48, 0], sizes = [8, 2048], strides = [1, 1]} : vector<96x2048xf32> to vector<8x2048xf32>
    %reduce_sum3A_404 = arith.constant dense<0.000000e+00> : vector<2048xf32>
    %reduce_sum3A_405 = vector.multi_reduction <add>, %slice3A_403, %reduce_sum3A_404 [0] : vector<8x2048xf32> to vector<2048xf32>
    %broadcast_in_dim3A_406 = vector.shape_cast %reduce_sum3A_405 : vector<2048xf32> to vector<1x2048xf32>
    %sub3A_407 = arith.constant 1.000000e+00 : f32
    %sub3A_408 = vector.broadcast %sub3A_407 : f32 to vector<1x2048xf32>
    %sub3A_409 = arith.subf %broadcast_in_dim3A_406, %sub3A_408 : vector<1x2048xf32>
    %swap3A_410 = arith.constant 6 : index
    %swap3A_411 = arith.constant 0 : index
    %swap3A_412 = arith.constant 0 : index
    %swap3A_413 = vector.load %arg3[%swap3A_410, %swap3A_411, %swap3A_412] : memref<12x1x2048xf32, #tpu.memory_space<vmem>>, vector<1x1x2048xf32>
    %swap3A_414 = vector.shape_cast %swap3A_413 : vector<1x1x2048xf32> to vector<1x2048xf32>
    %swap3A_415 = vector.shape_cast %broadcast_in_dim3A_106 : vector<1x2048xf32> to vector<1x1x2048xf32>
    tpu.vector_store %arg3[%swap3A_410, %swap3A_411, %swap3A_412], %swap3A_415 {strides = array<i32>} : memref<12x1x2048xf32, #tpu.memory_space<vmem>>, vector<1x1x2048xf32>,
    %transpose3A_416 = tpu.transpose %broadcast_in_dim3A_106, [1, 0] : vector<1x2048xf32> -> vector<2048x1xf32>
    %swap3A_417 = arith.constant 6 : index
    %swap3A_418 = arith.constant 0 : index
    %swap3A_419 = arith.constant 0 : index
    %swap3A_420 = vector.load %arg2[%swap3A_417, %swap3A_418, %swap3A_419] : memref<12x2048x1xf32, #tpu.memory_space<vmem>>, vector<1x2048x1xf32>
    %swap3A_421 = vector.shape_cast %swap3A_420 : vector<1x2048x1xf32> to vector<2048x1xf32>
    %swap3A_422 = vector.shape_cast %transpose3A_416 : vector<2048x1xf32> to vector<1x2048x1xf32>
    tpu.vector_store %arg2[%swap3A_417, %swap3A_418, %swap3A_419], %swap3A_422 {strides = array<i32>} : memref<12x2048x1xf32, #tpu.memory_space<vmem>>, vector<1x2048x1xf32>,
    %convert_element_type3A_423 = arith.fptosi %sub3A_409 : vector<1x2048xf32> to vector<1x2048xi32>
    %swap3A_424 = arith.constant 6 : index
    %swap3A_425 = arith.constant 0 : index
    %swap3A_426 = arith.constant 0 : index
    %swap3A_427 = vector.load %arg4[%swap3A_424, %swap3A_425, %swap3A_426] : memref<12x1x2048xi32, #tpu.memory_space<vmem>>, vector<1x1x2048xi32>
    %swap3A_428 = vector.shape_cast %swap3A_427 : vector<1x1x2048xi32> to vector<1x2048xi32>
    %swap3A_429 = vector.shape_cast %convert_element_type3A_423 : vector<1x2048xi32> to vector<1x1x2048xi32>
    tpu.vector_store %arg4[%swap3A_424, %swap3A_425, %swap3A_426], %swap3A_429 {strides = array<i32>} : memref<12x1x2048xi32, #tpu.memory_space<vmem>>, vector<1x1x2048xi32>,
    %slice3A_430 = vector.extract_strided_slice %mul3A {offsets = [56, 0], sizes = [8, 2048], strides = [1, 1]} : vector<96x2048xf32> to vector<8x2048xf32>
    %reduce_sum3A_431 = arith.constant dense<0.000000e+00> : vector<2048xf32>
    %reduce_sum3A_432 = vector.multi_reduction <add>, %slice3A_430, %reduce_sum3A_431 [0] : vector<8x2048xf32> to vector<2048xf32>
    %broadcast_in_dim3A_433 = vector.shape_cast %reduce_sum3A_432 : vector<2048xf32> to vector<1x2048xf32>
    %sub3A_434 = arith.constant 1.000000e+00 : f32
    %sub3A_435 = vector.broadcast %sub3A_434 : f32 to vector<1x2048xf32>
    %sub3A_436 = arith.subf %broadcast_in_dim3A_433, %sub3A_435 : vector<1x2048xf32>
    %swap3A_437 = arith.constant 7 : index
    %swap3A_438 = arith.constant 0 : index
    %swap3A_439 = arith.constant 0 : index
    %swap3A_440 = vector.load %arg3[%swap3A_437, %swap3A_438, %swap3A_439] : memref<12x1x2048xf32, #tpu.memory_space<vmem>>, vector<1x1x2048xf32>
    %swap3A_441 = vector.shape_cast %swap3A_440 : vector<1x1x2048xf32> to vector<1x2048xf32>
    %swap3A_442 = vector.shape_cast %broadcast_in_dim3A_122 : vector<1x2048xf32> to vector<1x1x2048xf32>
    tpu.vector_store %arg3[%swap3A_437, %swap3A_438, %swap3A_439], %swap3A_442 {strides = array<i32>} : memref<12x1x2048xf32, #tpu.memory_space<vmem>>, vector<1x1x2048xf32>,
    %transpose3A_443 = tpu.transpose %broadcast_in_dim3A_122, [1, 0] : vector<1x2048xf32> -> vector<2048x1xf32>
    %swap3A_444 = arith.constant 7 : index
    %swap3A_445 = arith.constant 0 : index
    %swap3A_446 = arith.constant 0 : index
    %swap3A_447 = vector.load %arg2[%swap3A_444, %swap3A_445, %swap3A_446] : memref<12x2048x1xf32, #tpu.memory_space<vmem>>, vector<1x2048x1xf32>
    %swap3A_448 = vector.shape_cast %swap3A_447 : vector<1x2048x1xf32> to vector<2048x1xf32>
    %swap3A_449 = vector.shape_cast %transpose3A_443 : vector<2048x1xf32> to vector<1x2048x1xf32>
    tpu.vector_store %arg2[%swap3A_444, %swap3A_445, %swap3A_446], %swap3A_449 {strides = array<i32>} : memref<12x2048x1xf32, #tpu.memory_space<vmem>>, vector<1x2048x1xf32>,
    %convert_element_type3A_450 = arith.fptosi %sub3A_436 : vector<1x2048xf32> to vector<1x2048xi32>
    %swap3A_451 = arith.constant 7 : index
    %swap3A_452 = arith.constant 0 : index
    %swap3A_453 = arith.constant 0 : index
    %swap3A_454 = vector.load %arg4[%swap3A_451, %swap3A_452, %swap3A_453] : memref<12x1x2048xi32, #tpu.memory_space<vmem>>, vector<1x1x2048xi32>
    %swap3A_455 = vector.shape_cast %swap3A_454 : vector<1x1x2048xi32> to vector<1x2048xi32>
    %swap3A_456 = vector.shape_cast %convert_element_type3A_450 : vector<1x2048xi32> to vector<1x1x2048xi32>
    tpu.vector_store %arg4[%swap3A_451, %swap3A_452, %swap3A_453], %swap3A_456 {strides = array<i32>} : memref<12x1x2048xi32, #tpu.memory_space<vmem>>, vector<1x1x2048xi32>,
    %slice3A_457 = vector.extract_strided_slice %mul3A {offsets = [64, 0], sizes = [8, 2048], strides = [1, 1]} : vector<96x2048xf32> to vector<8x2048xf32>
    %reduce_sum3A_458 = arith.constant dense<0.000000e+00> : vector<2048xf32>
    %reduce_sum3A_459 = vector.multi_reduction <add>, %slice3A_457, %reduce_sum3A_458 [0] : vector<8x2048xf32> to vector<2048xf32>
    %broadcast_in_dim3A_460 = vector.shape_cast %reduce_sum3A_459 : vector<2048xf32> to vector<1x2048xf32>
    %sub3A_461 = arith.constant 1.000000e+00 : f32
    %sub3A_462 = vector.broadcast %sub3A_461 : f32 to vector<1x2048xf32>
    %sub3A_463 = arith.subf %broadcast_in_dim3A_460, %sub3A_462 : vector<1x2048xf32>
    %swap3A_464 = arith.constant 8 : index
    %swap3A_465 = arith.constant 0 : index
    %swap3A_466 = arith.constant 0 : index
    %swap3A_467 = vector.load %arg3[%swap3A_464, %swap3A_465, %swap3A_466] : memref<12x1x2048xf32, #tpu.memory_space<vmem>>, vector<1x1x2048xf32>
    %swap3A_468 = vector.shape_cast %swap3A_467 : vector<1x1x2048xf32> to vector<1x2048xf32>
    %swap3A_469 = vector.shape_cast %broadcast_in_dim3A_138 : vector<1x2048xf32> to vector<1x1x2048xf32>
    tpu.vector_store %arg3[%swap3A_464, %swap3A_465, %swap3A_466], %swap3A_469 {strides = array<i32>} : memref<12x1x2048xf32, #tpu.memory_space<vmem>>, vector<1x1x2048xf32>,
    %transpose3A_470 = tpu.transpose %broadcast_in_dim3A_138, [1, 0] : vector<1x2048xf32> -> vector<2048x1xf32>
    %swap3A_471 = arith.constant 8 : index
    %swap3A_472 = arith.constant 0 : index
    %swap3A_473 = arith.constant 0 : index
    %swap3A_474 = vector.load %arg2[%swap3A_471, %swap3A_472, %swap3A_473] : memref<12x2048x1xf32, #tpu.memory_space<vmem>>, vector<1x2048x1xf32>
    %swap3A_475 = vector.shape_cast %swap3A_474 : vector<1x2048x1xf32> to vector<2048x1xf32>
    %swap3A_476 = vector.shape_cast %transpose3A_470 : vector<2048x1xf32> to vector<1x2048x1xf32>
    tpu.vector_store %arg2[%swap3A_471, %swap3A_472, %swap3A_473], %swap3A_476 {strides = array<i32>} : memref<12x2048x1xf32, #tpu.memory_space<vmem>>, vector<1x2048x1xf32>,
    %convert_element_type3A_477 = arith.fptosi %sub3A_463 : vector<1x2048xf32> to vector<1x2048xi32>
    %swap3A_478 = arith.constant 8 : index
    %swap3A_479 = arith.constant 0 : index
    %swap3A_480 = arith.constant 0 : index
    %swap3A_481 = vector.load %arg4[%swap3A_478, %swap3A_479, %swap3A_480] : memref<12x1x2048xi32, #tpu.memory_space<vmem>>, vector<1x1x2048xi32>
    %swap3A_482 = vector.shape_cast %swap3A_481 : vector<1x1x2048xi32> to vector<1x2048xi32>
    %swap3A_483 = vector.shape_cast %convert_element_type3A_477 : vector<1x2048xi32> to vector<1x1x2048xi32>
    tpu.vector_store %arg4[%swap3A_478, %swap3A_479, %swap3A_480], %swap3A_483 {strides = array<i32>} : memref<12x1x2048xi32, #tpu.memory_space<vmem>>, vector<1x1x2048xi32>,
    %slice3A_484 = vector.extract_strided_slice %mul3A {offsets = [72, 0], sizes = [8, 2048], strides = [1, 1]} : vector<96x2048xf32> to vector<8x2048xf32>
    %reduce_sum3A_485 = arith.constant dense<0.000000e+00> : vector<2048xf32>
    %reduce_sum3A_486 = vector.multi_reduction <add>, %slice3A_484, %reduce_sum3A_485 [0] : vector<8x2048xf32> to vector<2048xf32>
    %broadcast_in_dim3A_487 = vector.shape_cast %reduce_sum3A_486 : vector<2048xf32> to vector<1x2048xf32>
    %sub3A_488 = arith.constant 1.000000e+00 : f32
    %sub3A_489 = vector.broadcast %sub3A_488 : f32 to vector<1x2048xf32>
    %sub3A_490 = arith.subf %broadcast_in_dim3A_487, %sub3A_489 : vector<1x2048xf32>
    %swap3A_491 = arith.constant 9 : index
    %swap3A_492 = arith.constant 0 : index
    %swap3A_493 = arith.constant 0 : index
    %swap3A_494 = vector.load %arg3[%swap3A_491, %swap3A_492, %swap3A_493] : memref<12x1x2048xf32, #tpu.memory_space<vmem>>, vector<1x1x2048xf32>
    %swap3A_495 = vector.shape_cast %swap3A_494 : vector<1x1x2048xf32> to vector<1x2048xf32>
    %swap3A_496 = vector.shape_cast %broadcast_in_dim3A_154 : vector<1x2048xf32> to vector<1x1x2048xf32>
    tpu.vector_store %arg3[%swap3A_491, %swap3A_492, %swap3A_493], %swap3A_496 {strides = array<i32>} : memref<12x1x2048xf32, #tpu.memory_space<vmem>>, vector<1x1x2048xf32>,
    %transpose3A_497 = tpu.transpose %broadcast_in_dim3A_154, [1, 0] : vector<1x2048xf32> -> vector<2048x1xf32>
    %swap3A_498 = arith.constant 9 : index
    %swap3A_499 = arith.constant 0 : index
    %swap3A_500 = arith.constant 0 : index
    %swap3A_501 = vector.load %arg2[%swap3A_498, %swap3A_499, %swap3A_500] : memref<12x2048x1xf32, #tpu.memory_space<vmem>>, vector<1x2048x1xf32>
    %swap3A_502 = vector.shape_cast %swap3A_501 : vector<1x2048x1xf32> to vector<2048x1xf32>
    %swap3A_503 = vector.shape_cast %transpose3A_497 : vector<2048x1xf32> to vector<1x2048x1xf32>
    tpu.vector_store %arg2[%swap3A_498, %swap3A_499, %swap3A_500], %swap3A_503 {strides = array<i32>} : memref<12x2048x1xf32, #tpu.memory_space<vmem>>, vector<1x2048x1xf32>,
    %convert_element_type3A_504 = arith.fptosi %sub3A_490 : vector<1x2048xf32> to vector<1x2048xi32>
    %swap3A_505 = arith.constant 9 : index
    %swap3A_506 = arith.constant 0 : index
    %swap3A_507 = arith.constant 0 : index
    %swap3A_508 = vector.load %arg4[%swap3A_505, %swap3A_506, %swap3A_507] : memref<12x1x2048xi32, #tpu.memory_space<vmem>>, vector<1x1x2048xi32>
    %swap3A_509 = vector.shape_cast %swap3A_508 : vector<1x1x2048xi32> to vector<1x2048xi32>
    %swap3A_510 = vector.shape_cast %convert_element_type3A_504 : vector<1x2048xi32> to vector<1x1x2048xi32>
    tpu.vector_store %arg4[%swap3A_505, %swap3A_506, %swap3A_507], %swap3A_510 {strides = array<i32>} : memref<12x1x2048xi32, #tpu.memory_space<vmem>>, vector<1x1x2048xi32>,
    %slice3A_511 = vector.extract_strided_slice %mul3A {offsets = [80, 0], sizes = [8, 2048], strides = [1, 1]} : vector<96x2048xf32> to vector<8x2048xf32>
    %reduce_sum3A_512 = arith.constant dense<0.000000e+00> : vector<2048xf32>
    %reduce_sum3A_513 = vector.multi_reduction <add>, %slice3A_511, %reduce_sum3A_512 [0] : vector<8x2048xf32> to vector<2048xf32>
    %broadcast_in_dim3A_514 = vector.shape_cast %reduce_sum3A_513 : vector<2048xf32> to vector<1x2048xf32>
    %sub3A_515 = arith.constant 1.000000e+00 : f32
    %sub3A_516 = vector.broadcast %sub3A_515 : f32 to vector<1x2048xf32>
    %sub3A_517 = arith.subf %broadcast_in_dim3A_514, %sub3A_516 : vector<1x2048xf32>
    %swap3A_518 = arith.constant 10 : index
    %swap3A_519 = arith.constant 0 : index
    %swap3A_520 = arith.constant 0 : index
    %swap3A_521 = vector.load %arg3[%swap3A_518, %swap3A_519, %swap3A_520] : memref<12x1x2048xf32, #tpu.memory_space<vmem>>, vector<1x1x2048xf32>
    %swap3A_522 = vector.shape_cast %swap3A_521 : vector<1x1x2048xf32> to vector<1x2048xf32>
    %swap3A_523 = vector.shape_cast %broadcast_in_dim3A_170 : vector<1x2048xf32> to vector<1x1x2048xf32>
    tpu.vector_store %arg3[%swap3A_518, %swap3A_519, %swap3A_520], %swap3A_523 {strides = array<i32>} : memref<12x1x2048xf32, #tpu.memory_space<vmem>>, vector<1x1x2048xf32>,
    %transpose3A_524 = tpu.transpose %broadcast_in_dim3A_170, [1, 0] : vector<1x2048xf32> -> vector<2048x1xf32>
    %swap3A_525 = arith.constant 10 : index
    %swap3A_526 = arith.constant 0 : index
    %swap3A_527 = arith.constant 0 : index
    %swap3A_528 = vector.load %arg2[%swap3A_525, %swap3A_526, %swap3A_527] : memref<12x2048x1xf32, #tpu.memory_space<vmem>>, vector<1x2048x1xf32>
    %swap3A_529 = vector.shape_cast %swap3A_528 : vector<1x2048x1xf32> to vector<2048x1xf32>
    %swap3A_530 = vector.shape_cast %transpose3A_524 : vector<2048x1xf32> to vector<1x2048x1xf32>
    tpu.vector_store %arg2[%swap3A_525, %swap3A_526, %swap3A_527], %swap3A_530 {strides = array<i32>} : memref<12x2048x1xf32, #tpu.memory_space<vmem>>, vector<1x2048x1xf32>,
    %convert_element_type3A_531 = arith.fptosi %sub3A_517 : vector<1x2048xf32> to vector<1x2048xi32>
    %swap3A_532 = arith.constant 10 : index
    %swap3A_533 = arith.constant 0 : index
    %swap3A_534 = arith.constant 0 : index
    %swap3A_535 = vector.load %arg4[%swap3A_532, %swap3A_533, %swap3A_534] : memref<12x1x2048xi32, #tpu.memory_space<vmem>>, vector<1x1x2048xi32>
    %swap3A_536 = vector.shape_cast %swap3A_535 : vector<1x1x2048xi32> to vector<1x2048xi32>
    %swap3A_537 = vector.shape_cast %convert_element_type3A_531 : vector<1x2048xi32> to vector<1x1x2048xi32>
    tpu.vector_store %arg4[%swap3A_532, %swap3A_533, %swap3A_534], %swap3A_537 {strides = array<i32>} : memref<12x1x2048xi32, #tpu.memory_space<vmem>>, vector<1x1x2048xi32>,
    %slice3A_538 = vector.extract_strided_slice %mul3A {offsets = [88, 0], sizes = [8, 2048], strides = [1, 1]} : vector<96x2048xf32> to vector<8x2048xf32>
    %reduce_sum3A_539 = arith.constant dense<0.000000e+00> : vector<2048xf32>
    %reduce_sum3A_540 = vector.multi_reduction <add>, %slice3A_538, %reduce_sum3A_539 [0] : vector<8x2048xf32> to vector<2048xf32>
    %broadcast_in_dim3A_541 = vector.shape_cast %reduce_sum3A_540 : vector<2048xf32> to vector<1x2048xf32>
    %sub3A_542 = arith.constant 1.000000e+00 : f32
    %sub3A_543 = vector.broadcast %sub3A_542 : f32 to vector<1x2048xf32>
    %sub3A_544 = arith.subf %broadcast_in_dim3A_541, %sub3A_543 : vector<1x2048xf32>
    %swap3A_545 = arith.constant 11 : index
    %swap3A_546 = arith.constant 0 : index
    %swap3A_547 = arith.constant 0 : index
    %swap3A_548 = vector.load %arg3[%swap3A_545, %swap3A_546, %swap3A_547] : memref<12x1x2048xf32, #tpu.memory_space<vmem>>, vector<1x1x2048xf32>
    %swap3A_549 = vector.shape_cast %swap3A_548 : vector<1x1x2048xf32> to vector<1x2048xf32>
    %swap3A_550 = vector.shape_cast %broadcast_in_dim3A_186 : vector<1x2048xf32> to vector<1x1x2048xf32>
    tpu.vector_store %arg3[%swap3A_545, %swap3A_546, %swap3A_547], %swap3A_550 {strides = array<i32>} : memref<12x1x2048xf32, #tpu.memory_space<vmem>>, vector<1x1x2048xf32>,
    %transpose3A_551 = tpu.transpose %broadcast_in_dim3A_186, [1, 0] : vector<1x2048xf32> -> vector<2048x1xf32>
    %swap3A_552 = arith.constant 11 : index
    %swap3A_553 = arith.constant 0 : index
    %swap3A_554 = arith.constant 0 : index
    %swap3A_555 = vector.load %arg2[%swap3A_552, %swap3A_553, %swap3A_554] : memref<12x2048x1xf32, #tpu.memory_space<vmem>>, vector<1x2048x1xf32>
    %swap3A_556 = vector.shape_cast %swap3A_555 : vector<1x2048x1xf32> to vector<2048x1xf32>
    %swap3A_557 = vector.shape_cast %transpose3A_551 : vector<2048x1xf32> to vector<1x2048x1xf32>
    tpu.vector_store %arg2[%swap3A_552, %swap3A_553, %swap3A_554], %swap3A_557 {strides = array<i32>} : memref<12x2048x1xf32, #tpu.memory_space<vmem>>, vector<1x2048x1xf32>,
    %convert_element_type3A_558 = arith.fptosi %sub3A_544 : vector<1x2048xf32> to vector<1x2048xi32>
    %swap3A_559 = arith.constant 11 : index
    %swap3A_560 = arith.constant 0 : index
    %swap3A_561 = arith.constant 0 : index
    %swap3A_562 = vector.load %arg4[%swap3A_559, %swap3A_560, %swap3A_561] : memref<12x1x2048xi32, #tpu.memory_space<vmem>>, vector<1x1x2048xi32>
    %swap3A_563 = vector.shape_cast %swap3A_562 : vector<1x1x2048xi32> to vector<1x2048xi32>
    %swap3A_564 = vector.shape_cast %convert_element_type3A_558 : vector<1x2048xi32> to vector<1x1x2048xi32>
    tpu.vector_store %arg4[%swap3A_559, %swap3A_560, %swap3A_561], %swap3A_564 {strides = array<i32>} : memref<12x1x2048xi32, #tpu.memory_space<vmem>>, vector<1x1x2048xi32>,
    return
  }
}

module attributes {stable_mosaic.version = 14 : i64} {
  func.func @_rope_apply_kernel(%arg0: i32, %arg1: memref<1x2048x128xf32, #tpu.memory_space<vmem>>, %arg2: memref<1x2048x128xf32, #tpu.memory_space<vmem>>, %arg3: memref<1x2048x64xbf16, #tpu.memory_space<vmem>>, %arg4: memref<1x2048x64xbf16, #tpu.memory_space<vmem>>) attributes {dimension_semantics = [#tpu.dimension_semantics<arbitrary>], iteration_bounds = array<i64: 12>, scalar_prefetch = 0 : i64, scratch_operands = 0 : i64, tpu.core_type = #tpu.core_type<tc>, window_params = [{transform_indices = @transform_0, window_bounds = array<i64: 1, 2048, 128>}, {transform_indices = @transform_1, window_bounds = array<i64: 1, 2048, 128>}, {transform_indices = @transform_2, window_bounds = array<i64: 1, 2048, 64>}, {transform_indices = @transform_3, window_bounds = array<i64: 1, 2048, 64>}]} {
    %get3A = arith.constant 0 : index
    %get3A_0 = arith.constant 0 : index
    %get3A_1 = arith.constant 0 : index
    %get3A_2 = vector.load %arg1[%get3A, %get3A_0, %get3A_1] : memref<1x2048x128xf32, #tpu.memory_space<vmem>>, vector<1x2048x128xf32>
    %get3A_3 = vector.shape_cast %get3A_2 : vector<1x2048x128xf32> to vector<2048x128xf32>
    %get3A_4 = arith.constant 0 : index
    %get3A_5 = arith.constant 0 : index
    %get3A_6 = arith.constant 0 : index
    %get3A_7 = vector.load %arg2[%get3A_4, %get3A_5, %get3A_6] : memref<1x2048x128xf32, #tpu.memory_space<vmem>>, vector<1x2048x128xf32>
    %get3A_8 = vector.shape_cast %get3A_7 : vector<1x2048x128xf32> to vector<2048x128xf32>
    %slice3A = vector.extract_strided_slice %get3A_8 {offsets = [0, 0], sizes = [2048, 64], strides = [1, 1]} : vector<2048x128xf32> to vector<2048x64xf32>
    %slice3A_9 = vector.extract_strided_slice %get3A_8 {offsets = [0, 64], sizes = [2048, 64], strides = [1, 1]} : vector<2048x128xf32> to vector<2048x64xf32>
    %concatenate3A = tpu.concatenate %slice3A, %slice3A in 1 : vector<2048x64xf32>, vector<2048x64xf32> -> vector<2048x128xf32>
    %concatenate3A_10 = tpu.concatenate %slice3A_9, %slice3A_9 in 1 : vector<2048x64xf32>, vector<2048x64xf32> -> vector<2048x128xf32>
    %slice3A_11 = vector.extract_strided_slice %get3A_3 {offsets = [0, 32], sizes = [2048, 32], strides = [1, 1]} : vector<2048x128xf32> to vector<2048x32xf32>
    %neg3A = arith.constant 0.000000e+00 : f32
    %neg3A_12 = vector.broadcast %neg3A : f32 to vector<2048x32xf32>
    %neg3A_13 = arith.subf %neg3A_12, %slice3A_11 : vector<2048x32xf32>
    %slice3A_14 = vector.extract_strided_slice %get3A_3 {offsets = [0, 0], sizes = [2048, 32], strides = [1, 1]} : vector<2048x128xf32> to vector<2048x32xf32>
    %slice3A_15 = vector.extract_strided_slice %get3A_3 {offsets = [0, 96], sizes = [2048, 32], strides = [1, 1]} : vector<2048x128xf32> to vector<2048x32xf32>
    %neg3A_16 = arith.constant 0.000000e+00 : f32
    %neg3A_17 = vector.broadcast %neg3A_16 : f32 to vector<2048x32xf32>
    %neg3A_18 = arith.subf %neg3A_17, %slice3A_15 : vector<2048x32xf32>
    %slice3A_19 = vector.extract_strided_slice %get3A_3 {offsets = [0, 64], sizes = [2048, 32], strides = [1, 1]} : vector<2048x128xf32> to vector<2048x32xf32>
    %concatenate3A_20 = tpu.concatenate %neg3A_13, %slice3A_14, %neg3A_18, %slice3A_19 in 1 : vector<2048x32xf32>, vector<2048x32xf32>, vector<2048x32xf32>, vector<2048x32xf32> -> vector<2048x128xf32>
    %mul3A = arith.mulf %get3A_3, %concatenate3A : vector<2048x128xf32>
    %mul3A_21 = arith.mulf %concatenate3A_20, %concatenate3A_10 : vector<2048x128xf32>
    %add3A = arith.addf %mul3A, %mul3A_21 : vector<2048x128xf32>
    %slice3A_22 = vector.extract_strided_slice %add3A {offsets = [0, 0], sizes = [2048, 64], strides = [1, 1]} : vector<2048x128xf32> to vector<2048x64xf32>
    %mul3A_23 = arith.constant 1.250000e-01 : f32
    %mul3A_24 = vector.broadcast %mul3A_23 : f32 to vector<2048x64xf32>
    %mul3A_25 = arith.mulf %slice3A_22, %mul3A_24 : vector<2048x64xf32>
    %convert_element_type3A = arith.truncf %mul3A_25 : vector<2048x64xf32> to vector<2048x64xbf16>
    %swap3A = arith.constant 0 : index
    %swap3A_26 = arith.constant 0 : index
    %swap3A_27 = arith.constant 0 : index
    %swap3A_28 = vector.load %arg3[%swap3A, %swap3A_26, %swap3A_27] : memref<1x2048x64xbf16, #tpu.memory_space<vmem>>, vector<1x2048x64xbf16>
    %swap3A_29 = vector.shape_cast %swap3A_28 : vector<1x2048x64xbf16> to vector<2048x64xbf16>
    %swap3A_30 = vector.shape_cast %convert_element_type3A : vector<2048x64xbf16> to vector<1x2048x64xbf16>
    tpu.vector_store %arg3[%swap3A, %swap3A_26, %swap3A_27], %swap3A_30 {strides = array<i32>} : memref<1x2048x64xbf16, #tpu.memory_space<vmem>>, vector<1x2048x64xbf16>,
    %slice3A_31 = vector.extract_strided_slice %add3A {offsets = [0, 64], sizes = [2048, 64], strides = [1, 1]} : vector<2048x128xf32> to vector<2048x64xf32>
    %convert_element_type3A_32 = arith.truncf %slice3A_31 : vector<2048x64xf32> to vector<2048x64xbf16>
    %swap3A_33 = arith.constant 0 : index
    %swap3A_34 = arith.constant 0 : index
    %swap3A_35 = arith.constant 0 : index
    %swap3A_36 = vector.load %arg4[%swap3A_33, %swap3A_34, %swap3A_35] : memref<1x2048x64xbf16, #tpu.memory_space<vmem>>, vector<1x2048x64xbf16>
    %swap3A_37 = vector.shape_cast %swap3A_36 : vector<1x2048x64xbf16> to vector<2048x64xbf16>
    %swap3A_38 = vector.shape_cast %convert_element_type3A_32 : vector<2048x64xbf16> to vector<1x2048x64xbf16>
    tpu.vector_store %arg4[%swap3A_33, %swap3A_34, %swap3A_35], %swap3A_38 {strides = array<i32>} : memref<1x2048x64xbf16, #tpu.memory_space<vmem>>, vector<1x2048x64xbf16>,
    return
  }
  func.func @transform_0(%arg0: i32) -> (i32, i32, i32) {
    %c0_i32 = arith.constant 0 : i32
    %c0_i32_0 = arith.constant 0 : i32
    %c0_i32_1 = arith.constant 0 : i32
    return %arg0, %c0_i32, %c0_i32_0 : i32, i32, i32
  }
  func.func @transform_1(%arg0: i32) -> (i32, i32, i32) {
    %c0_i32 = arith.constant 0 : i32
    %c0_i32_0 = arith.constant 0 : i32
    %c0_i32_1 = arith.constant 0 : i32
    return %arg0, %c0_i32, %c0_i32_0 : i32, i32, i32
  }
  func.func @transform_2(%arg0: i32) -> (i32, i32, i32) {
    %c0_i32 = arith.constant 0 : i32
    %c0_i32_0 = arith.constant 0 : i32
    %c0_i32_1 = arith.constant 0 : i32
    return %arg0, %c0_i32, %c0_i32_0 : i32, i32, i32
  }
  func.func @transform_3(%arg0: i32) -> (i32, i32, i32) {
    %c0_i32 = arith.constant 0 : i32
    %c0_i32_0 = arith.constant 0 : i32
    %c0_i32_1 = arith.constant 0 : i32
    return %arg0, %c0_i32, %c0_i32_0 : i32, i32, i32
  }
}

module attributes {stable_mosaic.version = 14 : i64} {
  func.func @_attn_out_kernel(%arg0: i32, %arg1: memref<12x256x64xbf16, #tpu.memory_space<vmem>>, %arg2: memref<12x2048x64xbf16, #tpu.memory_space<vmem>>, %arg3: memref<12x2048x128xbf16, #tpu.memory_space<vmem>>, %arg4: memref<12x256x1xf32, #tpu.memory_space<vmem>>, %arg5: memref<12x1x2048xf32, #tpu.memory_space<vmem>>, %arg6: memref<768x768xbf16, #tpu.memory_space<vmem>>, %arg7: memref<256x768xf32, #tpu.memory_space<vmem>>, %arg8: memref<256x768xbf16, #tpu.memory_space<vmem>>) attributes {dimension_semantics = [#tpu.dimension_semantics<arbitrary>], iteration_bounds = array<i64: 8>, scalar_prefetch = 0 : i64, scratch_operands = 1 : i64, tpu.core_type = #tpu.core_type<tc>, window_params = [{transform_indices = @transform_0, window_bounds = array<i64: 12, 256, 64>}, {pipeline_mode = #tpu.pipeline_mode<synchronous>, transform_indices = @transform_1, window_bounds = array<i64: 12, 2048, 64>}, {pipeline_mode = #tpu.pipeline_mode<synchronous>, transform_indices = @transform_2, window_bounds = array<i64: 12, 2048, 128>}, {transform_indices = @transform_3, window_bounds = array<i64: 12, 256, 1>}, {pipeline_mode = #tpu.pipeline_mode<synchronous>, transform_indices = @transform_4, window_bounds = array<i64: 12, 1, 2048>}, {pipeline_mode = #tpu.pipeline_mode<synchronous>, transform_indices = @transform_5, window_bounds = array<i64: 768, 768>}, {transform_indices = @transform_6, window_bounds = array<i64: 256, 768>}]} {
    %iota3A = tpu.iota {dimensions = array<i32: 0>} : vector<256x2048xi32>
    %mul3A = arith.constant 256 : i32
    %mul3A_0 = arith.muli %arg0, %mul3A : i32
    %add3A = vector.broadcast %mul3A_0 : i32 to vector<256x2048xi32>
    %add3A_1 = arith.addi %iota3A, %add3A : vector<256x2048xi32>
    %iota3A_2 = tpu.iota {dimensions = array<i32: 1>} : vector<256x2048xi32>
    %ge3A = arith.cmpi sge, %add3A_1, %iota3A_2 : vector<256x2048xi32>
    %get3A = arith.constant 0 : index
    %get3A_3 = arith.constant 0 : index
    %get3A_4 = arith.constant 0 : index
    %get3A_5 = vector.load %arg1[%get3A, %get3A_3, %get3A_4] : memref<12x256x64xbf16, #tpu.memory_space<vmem>>, vector<1x256x64xbf16>
    %get3A_6 = vector.shape_cast %get3A_5 : vector<1x256x64xbf16> to vector<256x64xbf16>
    %get3A_7 = arith.constant 0 : index
    %get3A_8 = arith.constant 0 : index
    %get3A_9 = arith.constant 0 : index
    %get3A_10 = vector.load %arg2[%get3A_7, %get3A_8, %get3A_9] : memref<12x2048x64xbf16, #tpu.memory_space<vmem>>, vector<1x2048x64xbf16>
    %get3A_11 = vector.shape_cast %get3A_10 : vector<1x2048x64xbf16> to vector<2048x64xbf16>
    %dot_general3A = arith.constant dense<0.000000e+00> : vector<256x2048xf32>
    %dot_general3A_12 = tpu.matmul %get3A_6, %get3A_11, %dot_general3A {dimension_numbers = #tpu.dot_dimension_numbers<[1], [1], [0], [0], [0, 0, 1, 0], [], []>, transpose_lhs_hint = false} : vector<256x64xbf16>, vector<2048x64xbf16>, vector<256x2048xf32> -> vector<256x2048xf32>
    %get3A_13 = arith.constant 0 : index
    %get3A_14 = arith.constant 0 : index
    %get3A_15 = arith.constant 0 : index
    %get3A_16 = vector.load %arg4[%get3A_13, %get3A_14, %get3A_15] : memref<12x256x1xf32, #tpu.memory_space<vmem>>, vector<1x256x1xf32>
    %get3A_17 = vector.shape_cast %get3A_16 : vector<1x256x1xf32> to vector<256x1xf32>
    %get3A_18 = arith.constant 0 : index
    %get3A_19 = arith.constant 0 : index
    %get3A_20 = arith.constant 0 : index
    %get3A_21 = vector.load %arg5[%get3A_18, %get3A_19, %get3A_20] : memref<12x1x2048xf32, #tpu.memory_space<vmem>>, vector<1x1x2048xf32>
    %get3A_22 = vector.shape_cast %get3A_21 : vector<1x1x2048xf32> to vector<1x2048xf32>
    %sub3A = vector.broadcast %get3A_17 : vector<256x1xf32> to vector<256x2048xf32>
    %sub3A_23 = vector.broadcast %get3A_22 : vector<1x2048xf32> to vector<256x2048xf32>
    %sub3A_24 = arith.subf %sub3A, %sub3A_23 : vector<256x2048xf32>
    %mul3A_25 = arith.mulf %sub3A_24, %sub3A_24 : vector<256x2048xf32>
    %mul3A_26 = arith.constant -1.000000e+09 : f32
    %mul3A_27 = vector.broadcast %mul3A_26 : f32 to vector<256x2048xf32>
    %mul3A_28 = arith.mulf %mul3A_25, %mul3A_27 : vector<256x2048xf32>
    %add3A_29 = arith.addf %dot_general3A_12, %mul3A_28 : vector<256x2048xf32>
    %exp3A = math.exp %add3A_29 : vector<256x2048xf32>
    %jit3A = arith.constant 0.000000e+00 : f32
    %broadcast_in_dim3A = vector.broadcast %jit3A : f32 to vector<256x2048xf32>
    %select_n3A = arith.select %ge3A, %exp3A, %broadcast_in_dim3A : vector<256x2048xi1>, vector<256x2048xf32>
    %convert_element_type3A = arith.truncf %select_n3A : vector<256x2048xf32> to vector<256x2048xbf16>
    %get3A_30 = arith.constant 0 : index
    %get3A_31 = arith.constant 0 : index
    %get3A_32 = arith.constant 0 : index
    %get3A_33 = vector.load %arg3[%get3A_30, %get3A_31, %get3A_32] : memref<12x2048x128xbf16, #tpu.memory_space<vmem>>, vector<1x2048x128xbf16>
    %get3A_34 = vector.shape_cast %get3A_33 : vector<1x2048x128xbf16> to vector<2048x128xbf16>
    %dot_general3A_35 = arith.constant dense<0.000000e+00> : vector<256x128xf32>
    %dot_general3A_36 = tpu.matmul %convert_element_type3A, %get3A_34, %dot_general3A_35 {dimension_numbers = #tpu.dot_dimension_numbers<[1], [0], [0], [1], [0, 0, 1, 1], [], []>, transpose_lhs_hint = false} : vector<256x2048xbf16>, vector<2048x128xbf16>, vector<256x128xf32> -> vector<256x128xf32>
    %slice3A = vector.extract_strided_slice %dot_general3A_36 {offsets = [0, 0], sizes = [256, 64], strides = [1, 1]} : vector<256x128xf32> to vector<256x64xf32>
    %slice3A_37 = vector.extract_strided_slice %dot_general3A_36 {offsets = [0, 64], sizes = [256, 1], strides = [1, 1]} : vector<256x128xf32> to vector<256x1xf32>
    %div3A = vector.broadcast %slice3A_37 : vector<256x1xf32> to vector<256x64xf32>
    %div3A_38 = arith.divf %slice3A, %div3A : vector<256x64xf32>
    %convert_element_type3A_39 = arith.truncf %div3A_38 : vector<256x64xf32> to vector<256x64xbf16>
    %swap3A = arith.constant 0 : index
    %swap3A_40 = arith.constant 0 : index
    %swap3A_41 = vector.load %arg8[%swap3A, %swap3A_40] : memref<256x768xbf16, #tpu.memory_space<vmem>>, vector<256x64xbf16>
    tpu.vector_store %arg8[%swap3A, %swap3A_40], %convert_element_type3A_39 {strides = array<i32>} : memref<256x768xbf16, #tpu.memory_space<vmem>>, vector<256x64xbf16>,
    %get3A_42 = arith.constant 1 : index
    %get3A_43 = arith.constant 0 : index
    %get3A_44 = arith.constant 0 : index
    %get3A_45 = vector.load %arg1[%get3A_42, %get3A_43, %get3A_44] : memref<12x256x64xbf16, #tpu.memory_space<vmem>>, vector<1x256x64xbf16>
    %get3A_46 = vector.shape_cast %get3A_45 : vector<1x256x64xbf16> to vector<256x64xbf16>
    %get3A_47 = arith.constant 1 : index
    %get3A_48 = arith.constant 0 : index
    %get3A_49 = arith.constant 0 : index
    %get3A_50 = vector.load %arg2[%get3A_47, %get3A_48, %get3A_49] : memref<12x2048x64xbf16, #tpu.memory_space<vmem>>, vector<1x2048x64xbf16>
    %get3A_51 = vector.shape_cast %get3A_50 : vector<1x2048x64xbf16> to vector<2048x64xbf16>
    %dot_general3A_52 = arith.constant dense<0.000000e+00> : vector<256x2048xf32>
    %dot_general3A_53 = tpu.matmul %get3A_46, %get3A_51, %dot_general3A_52 {dimension_numbers = #tpu.dot_dimension_numbers<[1], [1], [0], [0], [0, 0, 1, 0], [], []>, transpose_lhs_hint = false} : vector<256x64xbf16>, vector<2048x64xbf16>, vector<256x2048xf32> -> vector<256x2048xf32>
    %get3A_54 = arith.constant 1 : index
    %get3A_55 = arith.constant 0 : index
    %get3A_56 = arith.constant 0 : index
    %get3A_57 = vector.load %arg4[%get3A_54, %get3A_55, %get3A_56] : memref<12x256x1xf32, #tpu.memory_space<vmem>>, vector<1x256x1xf32>
    %get3A_58 = vector.shape_cast %get3A_57 : vector<1x256x1xf32> to vector<256x1xf32>
    %get3A_59 = arith.constant 1 : index
    %get3A_60 = arith.constant 0 : index
    %get3A_61 = arith.constant 0 : index
    %get3A_62 = vector.load %arg5[%get3A_59, %get3A_60, %get3A_61] : memref<12x1x2048xf32, #tpu.memory_space<vmem>>, vector<1x1x2048xf32>
    %get3A_63 = vector.shape_cast %get3A_62 : vector<1x1x2048xf32> to vector<1x2048xf32>
    %sub3A_64 = vector.broadcast %get3A_58 : vector<256x1xf32> to vector<256x2048xf32>
    %sub3A_65 = vector.broadcast %get3A_63 : vector<1x2048xf32> to vector<256x2048xf32>
    %sub3A_66 = arith.subf %sub3A_64, %sub3A_65 : vector<256x2048xf32>
    %mul3A_67 = arith.mulf %sub3A_66, %sub3A_66 : vector<256x2048xf32>
    %mul3A_68 = arith.constant -1.000000e+09 : f32
    %mul3A_69 = vector.broadcast %mul3A_68 : f32 to vector<256x2048xf32>
    %mul3A_70 = arith.mulf %mul3A_67, %mul3A_69 : vector<256x2048xf32>
    %add3A_71 = arith.addf %dot_general3A_53, %mul3A_70 : vector<256x2048xf32>
    %exp3A_72 = math.exp %add3A_71 : vector<256x2048xf32>
    %jit3A_73 = arith.constant 0.000000e+00 : f32
    %broadcast_in_dim3A_74 = vector.broadcast %jit3A_73 : f32 to vector<256x2048xf32>
    %select_n3A_75 = arith.select %ge3A, %exp3A_72, %broadcast_in_dim3A_74 : vector<256x2048xi1>, vector<256x2048xf32>
    %convert_element_type3A_76 = arith.truncf %select_n3A_75 : vector<256x2048xf32> to vector<256x2048xbf16>
    %get3A_77 = arith.constant 1 : index
    %get3A_78 = arith.constant 0 : index
    %get3A_79 = arith.constant 0 : index
    %get3A_80 = vector.load %arg3[%get3A_77, %get3A_78, %get3A_79] : memref<12x2048x128xbf16, #tpu.memory_space<vmem>>, vector<1x2048x128xbf16>
    %get3A_81 = vector.shape_cast %get3A_80 : vector<1x2048x128xbf16> to vector<2048x128xbf16>
    %dot_general3A_82 = arith.constant dense<0.000000e+00> : vector<256x128xf32>
    %dot_general3A_83 = tpu.matmul %convert_element_type3A_76, %get3A_81, %dot_general3A_82 {dimension_numbers = #tpu.dot_dimension_numbers<[1], [0], [0], [1], [0, 0, 1, 1], [], []>, transpose_lhs_hint = false} : vector<256x2048xbf16>, vector<2048x128xbf16>, vector<256x128xf32> -> vector<256x128xf32>
    %slice3A_84 = vector.extract_strided_slice %dot_general3A_83 {offsets = [0, 0], sizes = [256, 64], strides = [1, 1]} : vector<256x128xf32> to vector<256x64xf32>
    %slice3A_85 = vector.extract_strided_slice %dot_general3A_83 {offsets = [0, 64], sizes = [256, 1], strides = [1, 1]} : vector<256x128xf32> to vector<256x1xf32>
    %div3A_86 = vector.broadcast %slice3A_85 : vector<256x1xf32> to vector<256x64xf32>
    %div3A_87 = arith.divf %slice3A_84, %div3A_86 : vector<256x64xf32>
    %convert_element_type3A_88 = arith.truncf %div3A_87 : vector<256x64xf32> to vector<256x64xbf16>
    %swap3A_89 = arith.constant 0 : index
    %swap3A_90 = arith.constant 64 : index
    %swap3A_91 = vector.load %arg8[%swap3A_89, %swap3A_90] : memref<256x768xbf16, #tpu.memory_space<vmem>>, vector<256x64xbf16>
    tpu.vector_store %arg8[%swap3A_89, %swap3A_90], %convert_element_type3A_88 {strides = array<i32>} : memref<256x768xbf16, #tpu.memory_space<vmem>>, vector<256x64xbf16>,
    %get3A_92 = arith.constant 2 : index
    %get3A_93 = arith.constant 0 : index
    %get3A_94 = arith.constant 0 : index
    %get3A_95 = vector.load %arg1[%get3A_92, %get3A_93, %get3A_94] : memref<12x256x64xbf16, #tpu.memory_space<vmem>>, vector<1x256x64xbf16>
    %get3A_96 = vector.shape_cast %get3A_95 : vector<1x256x64xbf16> to vector<256x64xbf16>
    %get3A_97 = arith.constant 2 : index
    %get3A_98 = arith.constant 0 : index
    %get3A_99 = arith.constant 0 : index
    %get3A_100 = vector.load %arg2[%get3A_97, %get3A_98, %get3A_99] : memref<12x2048x64xbf16, #tpu.memory_space<vmem>>, vector<1x2048x64xbf16>
    %get3A_101 = vector.shape_cast %get3A_100 : vector<1x2048x64xbf16> to vector<2048x64xbf16>
    %dot_general3A_102 = arith.constant dense<0.000000e+00> : vector<256x2048xf32>
    %dot_general3A_103 = tpu.matmul %get3A_96, %get3A_101, %dot_general3A_102 {dimension_numbers = #tpu.dot_dimension_numbers<[1], [1], [0], [0], [0, 0, 1, 0], [], []>, transpose_lhs_hint = false} : vector<256x64xbf16>, vector<2048x64xbf16>, vector<256x2048xf32> -> vector<256x2048xf32>
    %get3A_104 = arith.constant 2 : index
    %get3A_105 = arith.constant 0 : index
    %get3A_106 = arith.constant 0 : index
    %get3A_107 = vector.load %arg4[%get3A_104, %get3A_105, %get3A_106] : memref<12x256x1xf32, #tpu.memory_space<vmem>>, vector<1x256x1xf32>
    %get3A_108 = vector.shape_cast %get3A_107 : vector<1x256x1xf32> to vector<256x1xf32>
    %get3A_109 = arith.constant 2 : index
    %get3A_110 = arith.constant 0 : index
    %get3A_111 = arith.constant 0 : index
    %get3A_112 = vector.load %arg5[%get3A_109, %get3A_110, %get3A_111] : memref<12x1x2048xf32, #tpu.memory_space<vmem>>, vector<1x1x2048xf32>
    %get3A_113 = vector.shape_cast %get3A_112 : vector<1x1x2048xf32> to vector<1x2048xf32>
    %sub3A_114 = vector.broadcast %get3A_108 : vector<256x1xf32> to vector<256x2048xf32>
    %sub3A_115 = vector.broadcast %get3A_113 : vector<1x2048xf32> to vector<256x2048xf32>
    %sub3A_116 = arith.subf %sub3A_114, %sub3A_115 : vector<256x2048xf32>
    %mul3A_117 = arith.mulf %sub3A_116, %sub3A_116 : vector<256x2048xf32>
    %mul3A_118 = arith.constant -1.000000e+09 : f32
    %mul3A_119 = vector.broadcast %mul3A_118 : f32 to vector<256x2048xf32>
    %mul3A_120 = arith.mulf %mul3A_117, %mul3A_119 : vector<256x2048xf32>
    %add3A_121 = arith.addf %dot_general3A_103, %mul3A_120 : vector<256x2048xf32>
    %exp3A_122 = math.exp %add3A_121 : vector<256x2048xf32>
    %jit3A_123 = arith.constant 0.000000e+00 : f32
    %broadcast_in_dim3A_124 = vector.broadcast %jit3A_123 : f32 to vector<256x2048xf32>
    %select_n3A_125 = arith.select %ge3A, %exp3A_122, %broadcast_in_dim3A_124 : vector<256x2048xi1>, vector<256x2048xf32>
    %convert_element_type3A_126 = arith.truncf %select_n3A_125 : vector<256x2048xf32> to vector<256x2048xbf16>
    %get3A_127 = arith.constant 2 : index
    %get3A_128 = arith.constant 0 : index
    %get3A_129 = arith.constant 0 : index
    %get3A_130 = vector.load %arg3[%get3A_127, %get3A_128, %get3A_129] : memref<12x2048x128xbf16, #tpu.memory_space<vmem>>, vector<1x2048x128xbf16>
    %get3A_131 = vector.shape_cast %get3A_130 : vector<1x2048x128xbf16> to vector<2048x128xbf16>
    %dot_general3A_132 = arith.constant dense<0.000000e+00> : vector<256x128xf32>
    %dot_general3A_133 = tpu.matmul %convert_element_type3A_126, %get3A_131, %dot_general3A_132 {dimension_numbers = #tpu.dot_dimension_numbers<[1], [0], [0], [1], [0, 0, 1, 1], [], []>, transpose_lhs_hint = false} : vector<256x2048xbf16>, vector<2048x128xbf16>, vector<256x128xf32> -> vector<256x128xf32>
    %slice3A_134 = vector.extract_strided_slice %dot_general3A_133 {offsets = [0, 0], sizes = [256, 64], strides = [1, 1]} : vector<256x128xf32> to vector<256x64xf32>
    %slice3A_135 = vector.extract_strided_slice %dot_general3A_133 {offsets = [0, 64], sizes = [256, 1], strides = [1, 1]} : vector<256x128xf32> to vector<256x1xf32>
    %div3A_136 = vector.broadcast %slice3A_135 : vector<256x1xf32> to vector<256x64xf32>
    %div3A_137 = arith.divf %slice3A_134, %div3A_136 : vector<256x64xf32>
    %convert_element_type3A_138 = arith.truncf %div3A_137 : vector<256x64xf32> to vector<256x64xbf16>
    %swap3A_139 = arith.constant 0 : index
    %swap3A_140 = arith.constant 128 : index
    %swap3A_141 = vector.load %arg8[%swap3A_139, %swap3A_140] : memref<256x768xbf16, #tpu.memory_space<vmem>>, vector<256x64xbf16>
    tpu.vector_store %arg8[%swap3A_139, %swap3A_140], %convert_element_type3A_138 {strides = array<i32>} : memref<256x768xbf16, #tpu.memory_space<vmem>>, vector<256x64xbf16>,
    %get3A_142 = arith.constant 3 : index
    %get3A_143 = arith.constant 0 : index
    %get3A_144 = arith.constant 0 : index
    %get3A_145 = vector.load %arg1[%get3A_142, %get3A_143, %get3A_144] : memref<12x256x64xbf16, #tpu.memory_space<vmem>>, vector<1x256x64xbf16>
    %get3A_146 = vector.shape_cast %get3A_145 : vector<1x256x64xbf16> to vector<256x64xbf16>
    %get3A_147 = arith.constant 3 : index
    %get3A_148 = arith.constant 0 : index
    %get3A_149 = arith.constant 0 : index
    %get3A_150 = vector.load %arg2[%get3A_147, %get3A_148, %get3A_149] : memref<12x2048x64xbf16, #tpu.memory_space<vmem>>, vector<1x2048x64xbf16>
    %get3A_151 = vector.shape_cast %get3A_150 : vector<1x2048x64xbf16> to vector<2048x64xbf16>
    %dot_general3A_152 = arith.constant dense<0.000000e+00> : vector<256x2048xf32>
    %dot_general3A_153 = tpu.matmul %get3A_146, %get3A_151, %dot_general3A_152 {dimension_numbers = #tpu.dot_dimension_numbers<[1], [1], [0], [0], [0, 0, 1, 0], [], []>, transpose_lhs_hint = false} : vector<256x64xbf16>, vector<2048x64xbf16>, vector<256x2048xf32> -> vector<256x2048xf32>
    %get3A_154 = arith.constant 3 : index
    %get3A_155 = arith.constant 0 : index
    %get3A_156 = arith.constant 0 : index
    %get3A_157 = vector.load %arg4[%get3A_154, %get3A_155, %get3A_156] : memref<12x256x1xf32, #tpu.memory_space<vmem>>, vector<1x256x1xf32>
    %get3A_158 = vector.shape_cast %get3A_157 : vector<1x256x1xf32> to vector<256x1xf32>
    %get3A_159 = arith.constant 3 : index
    %get3A_160 = arith.constant 0 : index
    %get3A_161 = arith.constant 0 : index
    %get3A_162 = vector.load %arg5[%get3A_159, %get3A_160, %get3A_161] : memref<12x1x2048xf32, #tpu.memory_space<vmem>>, vector<1x1x2048xf32>
    %get3A_163 = vector.shape_cast %get3A_162 : vector<1x1x2048xf32> to vector<1x2048xf32>
    %sub3A_164 = vector.broadcast %get3A_158 : vector<256x1xf32> to vector<256x2048xf32>
    %sub3A_165 = vector.broadcast %get3A_163 : vector<1x2048xf32> to vector<256x2048xf32>
    %sub3A_166 = arith.subf %sub3A_164, %sub3A_165 : vector<256x2048xf32>
    %mul3A_167 = arith.mulf %sub3A_166, %sub3A_166 : vector<256x2048xf32>
    %mul3A_168 = arith.constant -1.000000e+09 : f32
    %mul3A_169 = vector.broadcast %mul3A_168 : f32 to vector<256x2048xf32>
    %mul3A_170 = arith.mulf %mul3A_167, %mul3A_169 : vector<256x2048xf32>
    %add3A_171 = arith.addf %dot_general3A_153, %mul3A_170 : vector<256x2048xf32>
    %exp3A_172 = math.exp %add3A_171 : vector<256x2048xf32>
    %jit3A_173 = arith.constant 0.000000e+00 : f32
    %broadcast_in_dim3A_174 = vector.broadcast %jit3A_173 : f32 to vector<256x2048xf32>
    %select_n3A_175 = arith.select %ge3A, %exp3A_172, %broadcast_in_dim3A_174 : vector<256x2048xi1>, vector<256x2048xf32>
    %convert_element_type3A_176 = arith.truncf %select_n3A_175 : vector<256x2048xf32> to vector<256x2048xbf16>
    %get3A_177 = arith.constant 3 : index
    %get3A_178 = arith.constant 0 : index
    %get3A_179 = arith.constant 0 : index
    %get3A_180 = vector.load %arg3[%get3A_177, %get3A_178, %get3A_179] : memref<12x2048x128xbf16, #tpu.memory_space<vmem>>, vector<1x2048x128xbf16>
    %get3A_181 = vector.shape_cast %get3A_180 : vector<1x2048x128xbf16> to vector<2048x128xbf16>
    %dot_general3A_182 = arith.constant dense<0.000000e+00> : vector<256x128xf32>
    %dot_general3A_183 = tpu.matmul %convert_element_type3A_176, %get3A_181, %dot_general3A_182 {dimension_numbers = #tpu.dot_dimension_numbers<[1], [0], [0], [1], [0, 0, 1, 1], [], []>, transpose_lhs_hint = false} : vector<256x2048xbf16>, vector<2048x128xbf16>, vector<256x128xf32> -> vector<256x128xf32>
    %slice3A_184 = vector.extract_strided_slice %dot_general3A_183 {offsets = [0, 0], sizes = [256, 64], strides = [1, 1]} : vector<256x128xf32> to vector<256x64xf32>
    %slice3A_185 = vector.extract_strided_slice %dot_general3A_183 {offsets = [0, 64], sizes = [256, 1], strides = [1, 1]} : vector<256x128xf32> to vector<256x1xf32>
    %div3A_186 = vector.broadcast %slice3A_185 : vector<256x1xf32> to vector<256x64xf32>
    %div3A_187 = arith.divf %slice3A_184, %div3A_186 : vector<256x64xf32>
    %convert_element_type3A_188 = arith.truncf %div3A_187 : vector<256x64xf32> to vector<256x64xbf16>
    %swap3A_189 = arith.constant 0 : index
    %swap3A_190 = arith.constant 192 : index
    %swap3A_191 = vector.load %arg8[%swap3A_189, %swap3A_190] : memref<256x768xbf16, #tpu.memory_space<vmem>>, vector<256x64xbf16>
    tpu.vector_store %arg8[%swap3A_189, %swap3A_190], %convert_element_type3A_188 {strides = array<i32>} : memref<256x768xbf16, #tpu.memory_space<vmem>>, vector<256x64xbf16>,
    %get3A_192 = arith.constant 4 : index
    %get3A_193 = arith.constant 0 : index
    %get3A_194 = arith.constant 0 : index
    %get3A_195 = vector.load %arg1[%get3A_192, %get3A_193, %get3A_194] : memref<12x256x64xbf16, #tpu.memory_space<vmem>>, vector<1x256x64xbf16>
    %get3A_196 = vector.shape_cast %get3A_195 : vector<1x256x64xbf16> to vector<256x64xbf16>
    %get3A_197 = arith.constant 4 : index
    %get3A_198 = arith.constant 0 : index
    %get3A_199 = arith.constant 0 : index
    %get3A_200 = vector.load %arg2[%get3A_197, %get3A_198, %get3A_199] : memref<12x2048x64xbf16, #tpu.memory_space<vmem>>, vector<1x2048x64xbf16>
    %get3A_201 = vector.shape_cast %get3A_200 : vector<1x2048x64xbf16> to vector<2048x64xbf16>
    %dot_general3A_202 = arith.constant dense<0.000000e+00> : vector<256x2048xf32>
    %dot_general3A_203 = tpu.matmul %get3A_196, %get3A_201, %dot_general3A_202 {dimension_numbers = #tpu.dot_dimension_numbers<[1], [1], [0], [0], [0, 0, 1, 0], [], []>, transpose_lhs_hint = false} : vector<256x64xbf16>, vector<2048x64xbf16>, vector<256x2048xf32> -> vector<256x2048xf32>
    %get3A_204 = arith.constant 4 : index
    %get3A_205 = arith.constant 0 : index
    %get3A_206 = arith.constant 0 : index
    %get3A_207 = vector.load %arg4[%get3A_204, %get3A_205, %get3A_206] : memref<12x256x1xf32, #tpu.memory_space<vmem>>, vector<1x256x1xf32>
    %get3A_208 = vector.shape_cast %get3A_207 : vector<1x256x1xf32> to vector<256x1xf32>
    %get3A_209 = arith.constant 4 : index
    %get3A_210 = arith.constant 0 : index
    %get3A_211 = arith.constant 0 : index
    %get3A_212 = vector.load %arg5[%get3A_209, %get3A_210, %get3A_211] : memref<12x1x2048xf32, #tpu.memory_space<vmem>>, vector<1x1x2048xf32>
    %get3A_213 = vector.shape_cast %get3A_212 : vector<1x1x2048xf32> to vector<1x2048xf32>
    %sub3A_214 = vector.broadcast %get3A_208 : vector<256x1xf32> to vector<256x2048xf32>
    %sub3A_215 = vector.broadcast %get3A_213 : vector<1x2048xf32> to vector<256x2048xf32>
    %sub3A_216 = arith.subf %sub3A_214, %sub3A_215 : vector<256x2048xf32>
    %mul3A_217 = arith.mulf %sub3A_216, %sub3A_216 : vector<256x2048xf32>
    %mul3A_218 = arith.constant -1.000000e+09 : f32
    %mul3A_219 = vector.broadcast %mul3A_218 : f32 to vector<256x2048xf32>
    %mul3A_220 = arith.mulf %mul3A_217, %mul3A_219 : vector<256x2048xf32>
    %add3A_221 = arith.addf %dot_general3A_203, %mul3A_220 : vector<256x2048xf32>
    %exp3A_222 = math.exp %add3A_221 : vector<256x2048xf32>
    %jit3A_223 = arith.constant 0.000000e+00 : f32
    %broadcast_in_dim3A_224 = vector.broadcast %jit3A_223 : f32 to vector<256x2048xf32>
    %select_n3A_225 = arith.select %ge3A, %exp3A_222, %broadcast_in_dim3A_224 : vector<256x2048xi1>, vector<256x2048xf32>
    %convert_element_type3A_226 = arith.truncf %select_n3A_225 : vector<256x2048xf32> to vector<256x2048xbf16>
    %get3A_227 = arith.constant 4 : index
    %get3A_228 = arith.constant 0 : index
    %get3A_229 = arith.constant 0 : index
    %get3A_230 = vector.load %arg3[%get3A_227, %get3A_228, %get3A_229] : memref<12x2048x128xbf16, #tpu.memory_space<vmem>>, vector<1x2048x128xbf16>
    %get3A_231 = vector.shape_cast %get3A_230 : vector<1x2048x128xbf16> to vector<2048x128xbf16>
    %dot_general3A_232 = arith.constant dense<0.000000e+00> : vector<256x128xf32>
    %dot_general3A_233 = tpu.matmul %convert_element_type3A_226, %get3A_231, %dot_general3A_232 {dimension_numbers = #tpu.dot_dimension_numbers<[1], [0], [0], [1], [0, 0, 1, 1], [], []>, transpose_lhs_hint = false} : vector<256x2048xbf16>, vector<2048x128xbf16>, vector<256x128xf32> -> vector<256x128xf32>
    %slice3A_234 = vector.extract_strided_slice %dot_general3A_233 {offsets = [0, 0], sizes = [256, 64], strides = [1, 1]} : vector<256x128xf32> to vector<256x64xf32>
    %slice3A_235 = vector.extract_strided_slice %dot_general3A_233 {offsets = [0, 64], sizes = [256, 1], strides = [1, 1]} : vector<256x128xf32> to vector<256x1xf32>
    %div3A_236 = vector.broadcast %slice3A_235 : vector<256x1xf32> to vector<256x64xf32>
    %div3A_237 = arith.divf %slice3A_234, %div3A_236 : vector<256x64xf32>
    %convert_element_type3A_238 = arith.truncf %div3A_237 : vector<256x64xf32> to vector<256x64xbf16>
    %swap3A_239 = arith.constant 0 : index
    %swap3A_240 = arith.constant 256 : index
    %swap3A_241 = vector.load %arg8[%swap3A_239, %swap3A_240] : memref<256x768xbf16, #tpu.memory_space<vmem>>, vector<256x64xbf16>
    tpu.vector_store %arg8[%swap3A_239, %swap3A_240], %convert_element_type3A_238 {strides = array<i32>} : memref<256x768xbf16, #tpu.memory_space<vmem>>, vector<256x64xbf16>,
    %get3A_242 = arith.constant 5 : index
    %get3A_243 = arith.constant 0 : index
    %get3A_244 = arith.constant 0 : index
    %get3A_245 = vector.load %arg1[%get3A_242, %get3A_243, %get3A_244] : memref<12x256x64xbf16, #tpu.memory_space<vmem>>, vector<1x256x64xbf16>
    %get3A_246 = vector.shape_cast %get3A_245 : vector<1x256x64xbf16> to vector<256x64xbf16>
    %get3A_247 = arith.constant 5 : index
    %get3A_248 = arith.constant 0 : index
    %get3A_249 = arith.constant 0 : index
    %get3A_250 = vector.load %arg2[%get3A_247, %get3A_248, %get3A_249] : memref<12x2048x64xbf16, #tpu.memory_space<vmem>>, vector<1x2048x64xbf16>
    %get3A_251 = vector.shape_cast %get3A_250 : vector<1x2048x64xbf16> to vector<2048x64xbf16>
    %dot_general3A_252 = arith.constant dense<0.000000e+00> : vector<256x2048xf32>
    %dot_general3A_253 = tpu.matmul %get3A_246, %get3A_251, %dot_general3A_252 {dimension_numbers = #tpu.dot_dimension_numbers<[1], [1], [0], [0], [0, 0, 1, 0], [], []>, transpose_lhs_hint = false} : vector<256x64xbf16>, vector<2048x64xbf16>, vector<256x2048xf32> -> vector<256x2048xf32>
    %get3A_254 = arith.constant 5 : index
    %get3A_255 = arith.constant 0 : index
    %get3A_256 = arith.constant 0 : index
    %get3A_257 = vector.load %arg4[%get3A_254, %get3A_255, %get3A_256] : memref<12x256x1xf32, #tpu.memory_space<vmem>>, vector<1x256x1xf32>
    %get3A_258 = vector.shape_cast %get3A_257 : vector<1x256x1xf32> to vector<256x1xf32>
    %get3A_259 = arith.constant 5 : index
    %get3A_260 = arith.constant 0 : index
    %get3A_261 = arith.constant 0 : index
    %get3A_262 = vector.load %arg5[%get3A_259, %get3A_260, %get3A_261] : memref<12x1x2048xf32, #tpu.memory_space<vmem>>, vector<1x1x2048xf32>
    %get3A_263 = vector.shape_cast %get3A_262 : vector<1x1x2048xf32> to vector<1x2048xf32>
    %sub3A_264 = vector.broadcast %get3A_258 : vector<256x1xf32> to vector<256x2048xf32>
    %sub3A_265 = vector.broadcast %get3A_263 : vector<1x2048xf32> to vector<256x2048xf32>
    %sub3A_266 = arith.subf %sub3A_264, %sub3A_265 : vector<256x2048xf32>
    %mul3A_267 = arith.mulf %sub3A_266, %sub3A_266 : vector<256x2048xf32>
    %mul3A_268 = arith.constant -1.000000e+09 : f32
    %mul3A_269 = vector.broadcast %mul3A_268 : f32 to vector<256x2048xf32>
    %mul3A_270 = arith.mulf %mul3A_267, %mul3A_269 : vector<256x2048xf32>
    %add3A_271 = arith.addf %dot_general3A_253, %mul3A_270 : vector<256x2048xf32>
    %exp3A_272 = math.exp %add3A_271 : vector<256x2048xf32>
    %jit3A_273 = arith.constant 0.000000e+00 : f32
    %broadcast_in_dim3A_274 = vector.broadcast %jit3A_273 : f32 to vector<256x2048xf32>
    %select_n3A_275 = arith.select %ge3A, %exp3A_272, %broadcast_in_dim3A_274 : vector<256x2048xi1>, vector<256x2048xf32>
    %convert_element_type3A_276 = arith.truncf %select_n3A_275 : vector<256x2048xf32> to vector<256x2048xbf16>
    %get3A_277 = arith.constant 5 : index
    %get3A_278 = arith.constant 0 : index
    %get3A_279 = arith.constant 0 : index
    %get3A_280 = vector.load %arg3[%get3A_277, %get3A_278, %get3A_279] : memref<12x2048x128xbf16, #tpu.memory_space<vmem>>, vector<1x2048x128xbf16>
    %get3A_281 = vector.shape_cast %get3A_280 : vector<1x2048x128xbf16> to vector<2048x128xbf16>
    %dot_general3A_282 = arith.constant dense<0.000000e+00> : vector<256x128xf32>
    %dot_general3A_283 = tpu.matmul %convert_element_type3A_276, %get3A_281, %dot_general3A_282 {dimension_numbers = #tpu.dot_dimension_numbers<[1], [0], [0], [1], [0, 0, 1, 1], [], []>, transpose_lhs_hint = false} : vector<256x2048xbf16>, vector<2048x128xbf16>, vector<256x128xf32> -> vector<256x128xf32>
    %slice3A_284 = vector.extract_strided_slice %dot_general3A_283 {offsets = [0, 0], sizes = [256, 64], strides = [1, 1]} : vector<256x128xf32> to vector<256x64xf32>
    %slice3A_285 = vector.extract_strided_slice %dot_general3A_283 {offsets = [0, 64], sizes = [256, 1], strides = [1, 1]} : vector<256x128xf32> to vector<256x1xf32>
    %div3A_286 = vector.broadcast %slice3A_285 : vector<256x1xf32> to vector<256x64xf32>
    %div3A_287 = arith.divf %slice3A_284, %div3A_286 : vector<256x64xf32>
    %convert_element_type3A_288 = arith.truncf %div3A_287 : vector<256x64xf32> to vector<256x64xbf16>
    %swap3A_289 = arith.constant 0 : index
    %swap3A_290 = arith.constant 320 : index
    %swap3A_291 = vector.load %arg8[%swap3A_289, %swap3A_290] : memref<256x768xbf16, #tpu.memory_space<vmem>>, vector<256x64xbf16>
    tpu.vector_store %arg8[%swap3A_289, %swap3A_290], %convert_element_type3A_288 {strides = array<i32>} : memref<256x768xbf16, #tpu.memory_space<vmem>>, vector<256x64xbf16>,
    %get3A_292 = arith.constant 6 : index
    %get3A_293 = arith.constant 0 : index
    %get3A_294 = arith.constant 0 : index
    %get3A_295 = vector.load %arg1[%get3A_292, %get3A_293, %get3A_294] : memref<12x256x64xbf16, #tpu.memory_space<vmem>>, vector<1x256x64xbf16>
    %get3A_296 = vector.shape_cast %get3A_295 : vector<1x256x64xbf16> to vector<256x64xbf16>
    %get3A_297 = arith.constant 6 : index
    %get3A_298 = arith.constant 0 : index
    %get3A_299 = arith.constant 0 : index
    %get3A_300 = vector.load %arg2[%get3A_297, %get3A_298, %get3A_299] : memref<12x2048x64xbf16, #tpu.memory_space<vmem>>, vector<1x2048x64xbf16>
    %get3A_301 = vector.shape_cast %get3A_300 : vector<1x2048x64xbf16> to vector<2048x64xbf16>
    %dot_general3A_302 = arith.constant dense<0.000000e+00> : vector<256x2048xf32>
    %dot_general3A_303 = tpu.matmul %get3A_296, %get3A_301, %dot_general3A_302 {dimension_numbers = #tpu.dot_dimension_numbers<[1], [1], [0], [0], [0, 0, 1, 0], [], []>, transpose_lhs_hint = false} : vector<256x64xbf16>, vector<2048x64xbf16>, vector<256x2048xf32> -> vector<256x2048xf32>
    %get3A_304 = arith.constant 6 : index
    %get3A_305 = arith.constant 0 : index
    %get3A_306 = arith.constant 0 : index
    %get3A_307 = vector.load %arg4[%get3A_304, %get3A_305, %get3A_306] : memref<12x256x1xf32, #tpu.memory_space<vmem>>, vector<1x256x1xf32>
    %get3A_308 = vector.shape_cast %get3A_307 : vector<1x256x1xf32> to vector<256x1xf32>
    %get3A_309 = arith.constant 6 : index
    %get3A_310 = arith.constant 0 : index
    %get3A_311 = arith.constant 0 : index
    %get3A_312 = vector.load %arg5[%get3A_309, %get3A_310, %get3A_311] : memref<12x1x2048xf32, #tpu.memory_space<vmem>>, vector<1x1x2048xf32>
    %get3A_313 = vector.shape_cast %get3A_312 : vector<1x1x2048xf32> to vector<1x2048xf32>
    %sub3A_314 = vector.broadcast %get3A_308 : vector<256x1xf32> to vector<256x2048xf32>
    %sub3A_315 = vector.broadcast %get3A_313 : vector<1x2048xf32> to vector<256x2048xf32>
    %sub3A_316 = arith.subf %sub3A_314, %sub3A_315 : vector<256x2048xf32>
    %mul3A_317 = arith.mulf %sub3A_316, %sub3A_316 : vector<256x2048xf32>
    %mul3A_318 = arith.constant -1.000000e+09 : f32
    %mul3A_319 = vector.broadcast %mul3A_318 : f32 to vector<256x2048xf32>
    %mul3A_320 = arith.mulf %mul3A_317, %mul3A_319 : vector<256x2048xf32>
    %add3A_321 = arith.addf %dot_general3A_303, %mul3A_320 : vector<256x2048xf32>
    %exp3A_322 = math.exp %add3A_321 : vector<256x2048xf32>
    %jit3A_323 = arith.constant 0.000000e+00 : f32
    %broadcast_in_dim3A_324 = vector.broadcast %jit3A_323 : f32 to vector<256x2048xf32>
    %select_n3A_325 = arith.select %ge3A, %exp3A_322, %broadcast_in_dim3A_324 : vector<256x2048xi1>, vector<256x2048xf32>
    %convert_element_type3A_326 = arith.truncf %select_n3A_325 : vector<256x2048xf32> to vector<256x2048xbf16>
    %get3A_327 = arith.constant 6 : index
    %get3A_328 = arith.constant 0 : index
    %get3A_329 = arith.constant 0 : index
    %get3A_330 = vector.load %arg3[%get3A_327, %get3A_328, %get3A_329] : memref<12x2048x128xbf16, #tpu.memory_space<vmem>>, vector<1x2048x128xbf16>
    %get3A_331 = vector.shape_cast %get3A_330 : vector<1x2048x128xbf16> to vector<2048x128xbf16>
    %dot_general3A_332 = arith.constant dense<0.000000e+00> : vector<256x128xf32>
    %dot_general3A_333 = tpu.matmul %convert_element_type3A_326, %get3A_331, %dot_general3A_332 {dimension_numbers = #tpu.dot_dimension_numbers<[1], [0], [0], [1], [0, 0, 1, 1], [], []>, transpose_lhs_hint = false} : vector<256x2048xbf16>, vector<2048x128xbf16>, vector<256x128xf32> -> vector<256x128xf32>
    %slice3A_334 = vector.extract_strided_slice %dot_general3A_333 {offsets = [0, 0], sizes = [256, 64], strides = [1, 1]} : vector<256x128xf32> to vector<256x64xf32>
    %slice3A_335 = vector.extract_strided_slice %dot_general3A_333 {offsets = [0, 64], sizes = [256, 1], strides = [1, 1]} : vector<256x128xf32> to vector<256x1xf32>
    %div3A_336 = vector.broadcast %slice3A_335 : vector<256x1xf32> to vector<256x64xf32>
    %div3A_337 = arith.divf %slice3A_334, %div3A_336 : vector<256x64xf32>
    %convert_element_type3A_338 = arith.truncf %div3A_337 : vector<256x64xf32> to vector<256x64xbf16>
    %swap3A_339 = arith.constant 0 : index
    %swap3A_340 = arith.constant 384 : index
    %swap3A_341 = vector.load %arg8[%swap3A_339, %swap3A_340] : memref<256x768xbf16, #tpu.memory_space<vmem>>, vector<256x64xbf16>
    tpu.vector_store %arg8[%swap3A_339, %swap3A_340], %convert_element_type3A_338 {strides = array<i32>} : memref<256x768xbf16, #tpu.memory_space<vmem>>, vector<256x64xbf16>,
    %get3A_342 = arith.constant 7 : index
    %get3A_343 = arith.constant 0 : index
    %get3A_344 = arith.constant 0 : index
    %get3A_345 = vector.load %arg1[%get3A_342, %get3A_343, %get3A_344] : memref<12x256x64xbf16, #tpu.memory_space<vmem>>, vector<1x256x64xbf16>
    %get3A_346 = vector.shape_cast %get3A_345 : vector<1x256x64xbf16> to vector<256x64xbf16>
    %get3A_347 = arith.constant 7 : index
    %get3A_348 = arith.constant 0 : index
    %get3A_349 = arith.constant 0 : index
    %get3A_350 = vector.load %arg2[%get3A_347, %get3A_348, %get3A_349] : memref<12x2048x64xbf16, #tpu.memory_space<vmem>>, vector<1x2048x64xbf16>
    %get3A_351 = vector.shape_cast %get3A_350 : vector<1x2048x64xbf16> to vector<2048x64xbf16>
    %dot_general3A_352 = arith.constant dense<0.000000e+00> : vector<256x2048xf32>
    %dot_general3A_353 = tpu.matmul %get3A_346, %get3A_351, %dot_general3A_352 {dimension_numbers = #tpu.dot_dimension_numbers<[1], [1], [0], [0], [0, 0, 1, 0], [], []>, transpose_lhs_hint = false} : vector<256x64xbf16>, vector<2048x64xbf16>, vector<256x2048xf32> -> vector<256x2048xf32>
    %get3A_354 = arith.constant 7 : index
    %get3A_355 = arith.constant 0 : index
    %get3A_356 = arith.constant 0 : index
    %get3A_357 = vector.load %arg4[%get3A_354, %get3A_355, %get3A_356] : memref<12x256x1xf32, #tpu.memory_space<vmem>>, vector<1x256x1xf32>
    %get3A_358 = vector.shape_cast %get3A_357 : vector<1x256x1xf32> to vector<256x1xf32>
    %get3A_359 = arith.constant 7 : index
    %get3A_360 = arith.constant 0 : index
    %get3A_361 = arith.constant 0 : index
    %get3A_362 = vector.load %arg5[%get3A_359, %get3A_360, %get3A_361] : memref<12x1x2048xf32, #tpu.memory_space<vmem>>, vector<1x1x2048xf32>
    %get3A_363 = vector.shape_cast %get3A_362 : vector<1x1x2048xf32> to vector<1x2048xf32>
    %sub3A_364 = vector.broadcast %get3A_358 : vector<256x1xf32> to vector<256x2048xf32>
    %sub3A_365 = vector.broadcast %get3A_363 : vector<1x2048xf32> to vector<256x2048xf32>
    %sub3A_366 = arith.subf %sub3A_364, %sub3A_365 : vector<256x2048xf32>
    %mul3A_367 = arith.mulf %sub3A_366, %sub3A_366 : vector<256x2048xf32>
    %mul3A_368 = arith.constant -1.000000e+09 : f32
    %mul3A_369 = vector.broadcast %mul3A_368 : f32 to vector<256x2048xf32>
    %mul3A_370 = arith.mulf %mul3A_367, %mul3A_369 : vector<256x2048xf32>
    %add3A_371 = arith.addf %dot_general3A_353, %mul3A_370 : vector<256x2048xf32>
    %exp3A_372 = math.exp %add3A_371 : vector<256x2048xf32>
    %jit3A_373 = arith.constant 0.000000e+00 : f32
    %broadcast_in_dim3A_374 = vector.broadcast %jit3A_373 : f32 to vector<256x2048xf32>
    %select_n3A_375 = arith.select %ge3A, %exp3A_372, %broadcast_in_dim3A_374 : vector<256x2048xi1>, vector<256x2048xf32>
    %convert_element_type3A_376 = arith.truncf %select_n3A_375 : vector<256x2048xf32> to vector<256x2048xbf16>
    %get3A_377 = arith.constant 7 : index
    %get3A_378 = arith.constant 0 : index
    %get3A_379 = arith.constant 0 : index
    %get3A_380 = vector.load %arg3[%get3A_377, %get3A_378, %get3A_379] : memref<12x2048x128xbf16, #tpu.memory_space<vmem>>, vector<1x2048x128xbf16>
    %get3A_381 = vector.shape_cast %get3A_380 : vector<1x2048x128xbf16> to vector<2048x128xbf16>
    %dot_general3A_382 = arith.constant dense<0.000000e+00> : vector<256x128xf32>
    %dot_general3A_383 = tpu.matmul %convert_element_type3A_376, %get3A_381, %dot_general3A_382 {dimension_numbers = #tpu.dot_dimension_numbers<[1], [0], [0], [1], [0, 0, 1, 1], [], []>, transpose_lhs_hint = false} : vector<256x2048xbf16>, vector<2048x128xbf16>, vector<256x128xf32> -> vector<256x128xf32>
    %slice3A_384 = vector.extract_strided_slice %dot_general3A_383 {offsets = [0, 0], sizes = [256, 64], strides = [1, 1]} : vector<256x128xf32> to vector<256x64xf32>
    %slice3A_385 = vector.extract_strided_slice %dot_general3A_383 {offsets = [0, 64], sizes = [256, 1], strides = [1, 1]} : vector<256x128xf32> to vector<256x1xf32>
    %div3A_386 = vector.broadcast %slice3A_385 : vector<256x1xf32> to vector<256x64xf32>
    %div3A_387 = arith.divf %slice3A_384, %div3A_386 : vector<256x64xf32>
    %convert_element_type3A_388 = arith.truncf %div3A_387 : vector<256x64xf32> to vector<256x64xbf16>
    %swap3A_389 = arith.constant 0 : index
    %swap3A_390 = arith.constant 448 : index
    %swap3A_391 = vector.load %arg8[%swap3A_389, %swap3A_390] : memref<256x768xbf16, #tpu.memory_space<vmem>>, vector<256x64xbf16>
    tpu.vector_store %arg8[%swap3A_389, %swap3A_390], %convert_element_type3A_388 {strides = array<i32>} : memref<256x768xbf16, #tpu.memory_space<vmem>>, vector<256x64xbf16>,
    %get3A_392 = arith.constant 8 : index
    %get3A_393 = arith.constant 0 : index
    %get3A_394 = arith.constant 0 : index
    %get3A_395 = vector.load %arg1[%get3A_392, %get3A_393, %get3A_394] : memref<12x256x64xbf16, #tpu.memory_space<vmem>>, vector<1x256x64xbf16>
    %get3A_396 = vector.shape_cast %get3A_395 : vector<1x256x64xbf16> to vector<256x64xbf16>
    %get3A_397 = arith.constant 8 : index
    %get3A_398 = arith.constant 0 : index
    %get3A_399 = arith.constant 0 : index
    %get3A_400 = vector.load %arg2[%get3A_397, %get3A_398, %get3A_399] : memref<12x2048x64xbf16, #tpu.memory_space<vmem>>, vector<1x2048x64xbf16>
    %get3A_401 = vector.shape_cast %get3A_400 : vector<1x2048x64xbf16> to vector<2048x64xbf16>
    %dot_general3A_402 = arith.constant dense<0.000000e+00> : vector<256x2048xf32>
    %dot_general3A_403 = tpu.matmul %get3A_396, %get3A_401, %dot_general3A_402 {dimension_numbers = #tpu.dot_dimension_numbers<[1], [1], [0], [0], [0, 0, 1, 0], [], []>, transpose_lhs_hint = false} : vector<256x64xbf16>, vector<2048x64xbf16>, vector<256x2048xf32> -> vector<256x2048xf32>
    %get3A_404 = arith.constant 8 : index
    %get3A_405 = arith.constant 0 : index
    %get3A_406 = arith.constant 0 : index
    %get3A_407 = vector.load %arg4[%get3A_404, %get3A_405, %get3A_406] : memref<12x256x1xf32, #tpu.memory_space<vmem>>, vector<1x256x1xf32>
    %get3A_408 = vector.shape_cast %get3A_407 : vector<1x256x1xf32> to vector<256x1xf32>
    %get3A_409 = arith.constant 8 : index
    %get3A_410 = arith.constant 0 : index
    %get3A_411 = arith.constant 0 : index
    %get3A_412 = vector.load %arg5[%get3A_409, %get3A_410, %get3A_411] : memref<12x1x2048xf32, #tpu.memory_space<vmem>>, vector<1x1x2048xf32>
    %get3A_413 = vector.shape_cast %get3A_412 : vector<1x1x2048xf32> to vector<1x2048xf32>
    %sub3A_414 = vector.broadcast %get3A_408 : vector<256x1xf32> to vector<256x2048xf32>
    %sub3A_415 = vector.broadcast %get3A_413 : vector<1x2048xf32> to vector<256x2048xf32>
    %sub3A_416 = arith.subf %sub3A_414, %sub3A_415 : vector<256x2048xf32>
    %mul3A_417 = arith.mulf %sub3A_416, %sub3A_416 : vector<256x2048xf32>
    %mul3A_418 = arith.constant -1.000000e+09 : f32
    %mul3A_419 = vector.broadcast %mul3A_418 : f32 to vector<256x2048xf32>
    %mul3A_420 = arith.mulf %mul3A_417, %mul3A_419 : vector<256x2048xf32>
    %add3A_421 = arith.addf %dot_general3A_403, %mul3A_420 : vector<256x2048xf32>
    %exp3A_422 = math.exp %add3A_421 : vector<256x2048xf32>
    %jit3A_423 = arith.constant 0.000000e+00 : f32
    %broadcast_in_dim3A_424 = vector.broadcast %jit3A_423 : f32 to vector<256x2048xf32>
    %select_n3A_425 = arith.select %ge3A, %exp3A_422, %broadcast_in_dim3A_424 : vector<256x2048xi1>, vector<256x2048xf32>
    %convert_element_type3A_426 = arith.truncf %select_n3A_425 : vector<256x2048xf32> to vector<256x2048xbf16>
    %get3A_427 = arith.constant 8 : index
    %get3A_428 = arith.constant 0 : index
    %get3A_429 = arith.constant 0 : index
    %get3A_430 = vector.load %arg3[%get3A_427, %get3A_428, %get3A_429] : memref<12x2048x128xbf16, #tpu.memory_space<vmem>>, vector<1x2048x128xbf16>
    %get3A_431 = vector.shape_cast %get3A_430 : vector<1x2048x128xbf16> to vector<2048x128xbf16>
    %dot_general3A_432 = arith.constant dense<0.000000e+00> : vector<256x128xf32>
    %dot_general3A_433 = tpu.matmul %convert_element_type3A_426, %get3A_431, %dot_general3A_432 {dimension_numbers = #tpu.dot_dimension_numbers<[1], [0], [0], [1], [0, 0, 1, 1], [], []>, transpose_lhs_hint = false} : vector<256x2048xbf16>, vector<2048x128xbf16>, vector<256x128xf32> -> vector<256x128xf32>
    %slice3A_434 = vector.extract_strided_slice %dot_general3A_433 {offsets = [0, 0], sizes = [256, 64], strides = [1, 1]} : vector<256x128xf32> to vector<256x64xf32>
    %slice3A_435 = vector.extract_strided_slice %dot_general3A_433 {offsets = [0, 64], sizes = [256, 1], strides = [1, 1]} : vector<256x128xf32> to vector<256x1xf32>
    %div3A_436 = vector.broadcast %slice3A_435 : vector<256x1xf32> to vector<256x64xf32>
    %div3A_437 = arith.divf %slice3A_434, %div3A_436 : vector<256x64xf32>
    %convert_element_type3A_438 = arith.truncf %div3A_437 : vector<256x64xf32> to vector<256x64xbf16>
    %swap3A_439 = arith.constant 0 : index
    %swap3A_440 = arith.constant 512 : index
    %swap3A_441 = vector.load %arg8[%swap3A_439, %swap3A_440] : memref<256x768xbf16, #tpu.memory_space<vmem>>, vector<256x64xbf16>
    tpu.vector_store %arg8[%swap3A_439, %swap3A_440], %convert_element_type3A_438 {strides = array<i32>} : memref<256x768xbf16, #tpu.memory_space<vmem>>, vector<256x64xbf16>,
    %get3A_442 = arith.constant 9 : index
    %get3A_443 = arith.constant 0 : index
    %get3A_444 = arith.constant 0 : index
    %get3A_445 = vector.load %arg1[%get3A_442, %get3A_443, %get3A_444] : memref<12x256x64xbf16, #tpu.memory_space<vmem>>, vector<1x256x64xbf16>
    %get3A_446 = vector.shape_cast %get3A_445 : vector<1x256x64xbf16> to vector<256x64xbf16>
    %get3A_447 = arith.constant 9 : index
    %get3A_448 = arith.constant 0 : index
    %get3A_449 = arith.constant 0 : index
    %get3A_450 = vector.load %arg2[%get3A_447, %get3A_448, %get3A_449] : memref<12x2048x64xbf16, #tpu.memory_space<vmem>>, vector<1x2048x64xbf16>
    %get3A_451 = vector.shape_cast %get3A_450 : vector<1x2048x64xbf16> to vector<2048x64xbf16>
    %dot_general3A_452 = arith.constant dense<0.000000e+00> : vector<256x2048xf32>
    %dot_general3A_453 = tpu.matmul %get3A_446, %get3A_451, %dot_general3A_452 {dimension_numbers = #tpu.dot_dimension_numbers<[1], [1], [0], [0], [0, 0, 1, 0], [], []>, transpose_lhs_hint = false} : vector<256x64xbf16>, vector<2048x64xbf16>, vector<256x2048xf32> -> vector<256x2048xf32>
    %get3A_454 = arith.constant 9 : index
    %get3A_455 = arith.constant 0 : index
    %get3A_456 = arith.constant 0 : index
    %get3A_457 = vector.load %arg4[%get3A_454, %get3A_455, %get3A_456] : memref<12x256x1xf32, #tpu.memory_space<vmem>>, vector<1x256x1xf32>
    %get3A_458 = vector.shape_cast %get3A_457 : vector<1x256x1xf32> to vector<256x1xf32>
    %get3A_459 = arith.constant 9 : index
    %get3A_460 = arith.constant 0 : index
    %get3A_461 = arith.constant 0 : index
    %get3A_462 = vector.load %arg5[%get3A_459, %get3A_460, %get3A_461] : memref<12x1x2048xf32, #tpu.memory_space<vmem>>, vector<1x1x2048xf32>
    %get3A_463 = vector.shape_cast %get3A_462 : vector<1x1x2048xf32> to vector<1x2048xf32>
    %sub3A_464 = vector.broadcast %get3A_458 : vector<256x1xf32> to vector<256x2048xf32>
    %sub3A_465 = vector.broadcast %get3A_463 : vector<1x2048xf32> to vector<256x2048xf32>
    %sub3A_466 = arith.subf %sub3A_464, %sub3A_465 : vector<256x2048xf32>
    %mul3A_467 = arith.mulf %sub3A_466, %sub3A_466 : vector<256x2048xf32>
    %mul3A_468 = arith.constant -1.000000e+09 : f32
    %mul3A_469 = vector.broadcast %mul3A_468 : f32 to vector<256x2048xf32>
    %mul3A_470 = arith.mulf %mul3A_467, %mul3A_469 : vector<256x2048xf32>
    %add3A_471 = arith.addf %dot_general3A_453, %mul3A_470 : vector<256x2048xf32>
    %exp3A_472 = math.exp %add3A_471 : vector<256x2048xf32>
    %jit3A_473 = arith.constant 0.000000e+00 : f32
    %broadcast_in_dim3A_474 = vector.broadcast %jit3A_473 : f32 to vector<256x2048xf32>
    %select_n3A_475 = arith.select %ge3A, %exp3A_472, %broadcast_in_dim3A_474 : vector<256x2048xi1>, vector<256x2048xf32>
    %convert_element_type3A_476 = arith.truncf %select_n3A_475 : vector<256x2048xf32> to vector<256x2048xbf16>
    %get3A_477 = arith.constant 9 : index
    %get3A_478 = arith.constant 0 : index
    %get3A_479 = arith.constant 0 : index
    %get3A_480 = vector.load %arg3[%get3A_477, %get3A_478, %get3A_479] : memref<12x2048x128xbf16, #tpu.memory_space<vmem>>, vector<1x2048x128xbf16>
    %get3A_481 = vector.shape_cast %get3A_480 : vector<1x2048x128xbf16> to vector<2048x128xbf16>
    %dot_general3A_482 = arith.constant dense<0.000000e+00> : vector<256x128xf32>
    %dot_general3A_483 = tpu.matmul %convert_element_type3A_476, %get3A_481, %dot_general3A_482 {dimension_numbers = #tpu.dot_dimension_numbers<[1], [0], [0], [1], [0, 0, 1, 1], [], []>, transpose_lhs_hint = false} : vector<256x2048xbf16>, vector<2048x128xbf16>, vector<256x128xf32> -> vector<256x128xf32>
    %slice3A_484 = vector.extract_strided_slice %dot_general3A_483 {offsets = [0, 0], sizes = [256, 64], strides = [1, 1]} : vector<256x128xf32> to vector<256x64xf32>
    %slice3A_485 = vector.extract_strided_slice %dot_general3A_483 {offsets = [0, 64], sizes = [256, 1], strides = [1, 1]} : vector<256x128xf32> to vector<256x1xf32>
    %div3A_486 = vector.broadcast %slice3A_485 : vector<256x1xf32> to vector<256x64xf32>
    %div3A_487 = arith.divf %slice3A_484, %div3A_486 : vector<256x64xf32>
    %convert_element_type3A_488 = arith.truncf %div3A_487 : vector<256x64xf32> to vector<256x64xbf16>
    %swap3A_489 = arith.constant 0 : index
    %swap3A_490 = arith.constant 576 : index
    %swap3A_491 = vector.load %arg8[%swap3A_489, %swap3A_490] : memref<256x768xbf16, #tpu.memory_space<vmem>>, vector<256x64xbf16>
    tpu.vector_store %arg8[%swap3A_489, %swap3A_490], %convert_element_type3A_488 {strides = array<i32>} : memref<256x768xbf16, #tpu.memory_space<vmem>>, vector<256x64xbf16>,
    %get3A_492 = arith.constant 10 : index
    %get3A_493 = arith.constant 0 : index
    %get3A_494 = arith.constant 0 : index
    %get3A_495 = vector.load %arg1[%get3A_492, %get3A_493, %get3A_494] : memref<12x256x64xbf16, #tpu.memory_space<vmem>>, vector<1x256x64xbf16>
    %get3A_496 = vector.shape_cast %get3A_495 : vector<1x256x64xbf16> to vector<256x64xbf16>
    %get3A_497 = arith.constant 10 : index
    %get3A_498 = arith.constant 0 : index
    %get3A_499 = arith.constant 0 : index
    %get3A_500 = vector.load %arg2[%get3A_497, %get3A_498, %get3A_499] : memref<12x2048x64xbf16, #tpu.memory_space<vmem>>, vector<1x2048x64xbf16>
    %get3A_501 = vector.shape_cast %get3A_500 : vector<1x2048x64xbf16> to vector<2048x64xbf16>
    %dot_general3A_502 = arith.constant dense<0.000000e+00> : vector<256x2048xf32>
    %dot_general3A_503 = tpu.matmul %get3A_496, %get3A_501, %dot_general3A_502 {dimension_numbers = #tpu.dot_dimension_numbers<[1], [1], [0], [0], [0, 0, 1, 0], [], []>, transpose_lhs_hint = false} : vector<256x64xbf16>, vector<2048x64xbf16>, vector<256x2048xf32> -> vector<256x2048xf32>
    %get3A_504 = arith.constant 10 : index
    %get3A_505 = arith.constant 0 : index
    %get3A_506 = arith.constant 0 : index
    %get3A_507 = vector.load %arg4[%get3A_504, %get3A_505, %get3A_506] : memref<12x256x1xf32, #tpu.memory_space<vmem>>, vector<1x256x1xf32>
    %get3A_508 = vector.shape_cast %get3A_507 : vector<1x256x1xf32> to vector<256x1xf32>
    %get3A_509 = arith.constant 10 : index
    %get3A_510 = arith.constant 0 : index
    %get3A_511 = arith.constant 0 : index
    %get3A_512 = vector.load %arg5[%get3A_509, %get3A_510, %get3A_511] : memref<12x1x2048xf32, #tpu.memory_space<vmem>>, vector<1x1x2048xf32>
    %get3A_513 = vector.shape_cast %get3A_512 : vector<1x1x2048xf32> to vector<1x2048xf32>
    %sub3A_514 = vector.broadcast %get3A_508 : vector<256x1xf32> to vector<256x2048xf32>
    %sub3A_515 = vector.broadcast %get3A_513 : vector<1x2048xf32> to vector<256x2048xf32>
    %sub3A_516 = arith.subf %sub3A_514, %sub3A_515 : vector<256x2048xf32>
    %mul3A_517 = arith.mulf %sub3A_516, %sub3A_516 : vector<256x2048xf32>
    %mul3A_518 = arith.constant -1.000000e+09 : f32
    %mul3A_519 = vector.broadcast %mul3A_518 : f32 to vector<256x2048xf32>
    %mul3A_520 = arith.mulf %mul3A_517, %mul3A_519 : vector<256x2048xf32>
    %add3A_521 = arith.addf %dot_general3A_503, %mul3A_520 : vector<256x2048xf32>
    %exp3A_522 = math.exp %add3A_521 : vector<256x2048xf32>
    %jit3A_523 = arith.constant 0.000000e+00 : f32
    %broadcast_in_dim3A_524 = vector.broadcast %jit3A_523 : f32 to vector<256x2048xf32>
    %select_n3A_525 = arith.select %ge3A, %exp3A_522, %broadcast_in_dim3A_524 : vector<256x2048xi1>, vector<256x2048xf32>
    %convert_element_type3A_526 = arith.truncf %select_n3A_525 : vector<256x2048xf32> to vector<256x2048xbf16>
    %get3A_527 = arith.constant 10 : index
    %get3A_528 = arith.constant 0 : index
    %get3A_529 = arith.constant 0 : index
    %get3A_530 = vector.load %arg3[%get3A_527, %get3A_528, %get3A_529] : memref<12x2048x128xbf16, #tpu.memory_space<vmem>>, vector<1x2048x128xbf16>
    %get3A_531 = vector.shape_cast %get3A_530 : vector<1x2048x128xbf16> to vector<2048x128xbf16>
    %dot_general3A_532 = arith.constant dense<0.000000e+00> : vector<256x128xf32>
    %dot_general3A_533 = tpu.matmul %convert_element_type3A_526, %get3A_531, %dot_general3A_532 {dimension_numbers = #tpu.dot_dimension_numbers<[1], [0], [0], [1], [0, 0, 1, 1], [], []>, transpose_lhs_hint = false} : vector<256x2048xbf16>, vector<2048x128xbf16>, vector<256x128xf32> -> vector<256x128xf32>
    %slice3A_534 = vector.extract_strided_slice %dot_general3A_533 {offsets = [0, 0], sizes = [256, 64], strides = [1, 1]} : vector<256x128xf32> to vector<256x64xf32>
    %slice3A_535 = vector.extract_strided_slice %dot_general3A_533 {offsets = [0, 64], sizes = [256, 1], strides = [1, 1]} : vector<256x128xf32> to vector<256x1xf32>
    %div3A_536 = vector.broadcast %slice3A_535 : vector<256x1xf32> to vector<256x64xf32>
    %div3A_537 = arith.divf %slice3A_534, %div3A_536 : vector<256x64xf32>
    %convert_element_type3A_538 = arith.truncf %div3A_537 : vector<256x64xf32> to vector<256x64xbf16>
    %swap3A_539 = arith.constant 0 : index
    %swap3A_540 = arith.constant 640 : index
    %swap3A_541 = vector.load %arg8[%swap3A_539, %swap3A_540] : memref<256x768xbf16, #tpu.memory_space<vmem>>, vector<256x64xbf16>
    tpu.vector_store %arg8[%swap3A_539, %swap3A_540], %convert_element_type3A_538 {strides = array<i32>} : memref<256x768xbf16, #tpu.memory_space<vmem>>, vector<256x64xbf16>,
    %get3A_542 = arith.constant 11 : index
    %get3A_543 = arith.constant 0 : index
    %get3A_544 = arith.constant 0 : index
    %get3A_545 = vector.load %arg1[%get3A_542, %get3A_543, %get3A_544] : memref<12x256x64xbf16, #tpu.memory_space<vmem>>, vector<1x256x64xbf16>
    %get3A_546 = vector.shape_cast %get3A_545 : vector<1x256x64xbf16> to vector<256x64xbf16>
    %get3A_547 = arith.constant 11 : index
    %get3A_548 = arith.constant 0 : index
    %get3A_549 = arith.constant 0 : index
    %get3A_550 = vector.load %arg2[%get3A_547, %get3A_548, %get3A_549] : memref<12x2048x64xbf16, #tpu.memory_space<vmem>>, vector<1x2048x64xbf16>
    %get3A_551 = vector.shape_cast %get3A_550 : vector<1x2048x64xbf16> to vector<2048x64xbf16>
    %dot_general3A_552 = arith.constant dense<0.000000e+00> : vector<256x2048xf32>
    %dot_general3A_553 = tpu.matmul %get3A_546, %get3A_551, %dot_general3A_552 {dimension_numbers = #tpu.dot_dimension_numbers<[1], [1], [0], [0], [0, 0, 1, 0], [], []>, transpose_lhs_hint = false} : vector<256x64xbf16>, vector<2048x64xbf16>, vector<256x2048xf32> -> vector<256x2048xf32>
    %get3A_554 = arith.constant 11 : index
    %get3A_555 = arith.constant 0 : index
    %get3A_556 = arith.constant 0 : index
    %get3A_557 = vector.load %arg4[%get3A_554, %get3A_555, %get3A_556] : memref<12x256x1xf32, #tpu.memory_space<vmem>>, vector<1x256x1xf32>
    %get3A_558 = vector.shape_cast %get3A_557 : vector<1x256x1xf32> to vector<256x1xf32>
    %get3A_559 = arith.constant 11 : index
    %get3A_560 = arith.constant 0 : index
    %get3A_561 = arith.constant 0 : index
    %get3A_562 = vector.load %arg5[%get3A_559, %get3A_560, %get3A_561] : memref<12x1x2048xf32, #tpu.memory_space<vmem>>, vector<1x1x2048xf32>
    %get3A_563 = vector.shape_cast %get3A_562 : vector<1x1x2048xf32> to vector<1x2048xf32>
    %sub3A_564 = vector.broadcast %get3A_558 : vector<256x1xf32> to vector<256x2048xf32>
    %sub3A_565 = vector.broadcast %get3A_563 : vector<1x2048xf32> to vector<256x2048xf32>
    %sub3A_566 = arith.subf %sub3A_564, %sub3A_565 : vector<256x2048xf32>
    %mul3A_567 = arith.mulf %sub3A_566, %sub3A_566 : vector<256x2048xf32>
    %mul3A_568 = arith.constant -1.000000e+09 : f32
    %mul3A_569 = vector.broadcast %mul3A_568 : f32 to vector<256x2048xf32>
    %mul3A_570 = arith.mulf %mul3A_567, %mul3A_569 : vector<256x2048xf32>
    %add3A_571 = arith.addf %dot_general3A_553, %mul3A_570 : vector<256x2048xf32>
    %exp3A_572 = math.exp %add3A_571 : vector<256x2048xf32>
    %jit3A_573 = arith.constant 0.000000e+00 : f32
    %broadcast_in_dim3A_574 = vector.broadcast %jit3A_573 : f32 to vector<256x2048xf32>
    %select_n3A_575 = arith.select %ge3A, %exp3A_572, %broadcast_in_dim3A_574 : vector<256x2048xi1>, vector<256x2048xf32>
    %convert_element_type3A_576 = arith.truncf %select_n3A_575 : vector<256x2048xf32> to vector<256x2048xbf16>
    %get3A_577 = arith.constant 11 : index
    %get3A_578 = arith.constant 0 : index
    %get3A_579 = arith.constant 0 : index
    %get3A_580 = vector.load %arg3[%get3A_577, %get3A_578, %get3A_579] : memref<12x2048x128xbf16, #tpu.memory_space<vmem>>, vector<1x2048x128xbf16>
    %get3A_581 = vector.shape_cast %get3A_580 : vector<1x2048x128xbf16> to vector<2048x128xbf16>
    %dot_general3A_582 = arith.constant dense<0.000000e+00> : vector<256x128xf32>
    %dot_general3A_583 = tpu.matmul %convert_element_type3A_576, %get3A_581, %dot_general3A_582 {dimension_numbers = #tpu.dot_dimension_numbers<[1], [0], [0], [1], [0, 0, 1, 1], [], []>, transpose_lhs_hint = false} : vector<256x2048xbf16>, vector<2048x128xbf16>, vector<256x128xf32> -> vector<256x128xf32>
    %slice3A_584 = vector.extract_strided_slice %dot_general3A_583 {offsets = [0, 0], sizes = [256, 64], strides = [1, 1]} : vector<256x128xf32> to vector<256x64xf32>
    %slice3A_585 = vector.extract_strided_slice %dot_general3A_583 {offsets = [0, 64], sizes = [256, 1], strides = [1, 1]} : vector<256x128xf32> to vector<256x1xf32>
    %div3A_586 = vector.broadcast %slice3A_585 : vector<256x1xf32> to vector<256x64xf32>
    %div3A_587 = arith.divf %slice3A_584, %div3A_586 : vector<256x64xf32>
    %convert_element_type3A_588 = arith.truncf %div3A_587 : vector<256x64xf32> to vector<256x64xbf16>
    %swap3A_589 = arith.constant 0 : index
    %swap3A_590 = arith.constant 704 : index
    %swap3A_591 = vector.load %arg8[%swap3A_589, %swap3A_590] : memref<256x768xbf16, #tpu.memory_space<vmem>>, vector<256x64xbf16>
    tpu.vector_store %arg8[%swap3A_589, %swap3A_590], %convert_element_type3A_588 {strides = array<i32>} : memref<256x768xbf16, #tpu.memory_space<vmem>>, vector<256x64xbf16>,
    %get3A_592 = arith.constant 0 : index
    %get3A_593 = arith.constant 0 : index
    %get3A_594 = vector.load %arg8[%get3A_592, %get3A_593] : memref<256x768xbf16, #tpu.memory_space<vmem>>, vector<256x768xbf16>
    %get3A_595 = arith.constant 0 : index
    %get3A_596 = arith.constant 0 : index
    %get3A_597 = vector.load %arg6[%get3A_595, %get3A_596] : memref<768x768xbf16, #tpu.memory_space<vmem>>, vector<768x768xbf16>
    %dot_general3A_598 = arith.constant dense<0.000000e+00> : vector<256x768xf32>
    %dot_general3A_599 = tpu.matmul %get3A_594, %get3A_597, %dot_general3A_598 {dimension_numbers = #tpu.dot_dimension_numbers<[1], [1], [0], [0], [0, 0, 1, 0], [], []>, transpose_lhs_hint = false} : vector<256x768xbf16>, vector<768x768xbf16>, vector<256x768xf32> -> vector<256x768xf32>
    %swap3A_600 = arith.constant 0 : index
    %swap3A_601 = arith.constant 0 : index
    %swap3A_602 = vector.load %arg7[%swap3A_600, %swap3A_601] : memref<256x768xf32, #tpu.memory_space<vmem>>, vector<256x768xf32>
    tpu.vector_store %arg7[%swap3A_600, %swap3A_601], %dot_general3A_599 {strides = array<i32>} : memref<256x768xf32, #tpu.memory_space<vmem>>, vector<256x768xf32>,
    return
  }
  func.func @transform_0(%arg0: i32) -> (i32, i32, i32) {
    %c0_i32 = arith.constant 0 : i32
    %c0_i32_0 = arith.constant 0 : i32
    %c0_i32_1 = arith.constant 0 : i32
    return %c0_i32, %arg0, %c0_i32_0 : i32, i32, i32
  }
  func.func @transform_1(%arg0: i32) -> (i32, i32, i32) {
    %c0_i32 = arith.constant 0 : i32
    %c0_i32_0 = arith.constant 0 : i32
    %c0_i32_1 = arith.constant 0 : i32
    %c0_i32_2 = arith.constant 0 : i32
    return %c0_i32, %c0_i32_0, %c0_i32_1 : i32, i32, i32
  }
  func.func @transform_2(%arg0: i32) -> (i32, i32, i32) {
    %c0_i32 = arith.constant 0 : i32
    %c0_i32_0 = arith.constant 0 : i32
    %c0_i32_1 = arith.constant 0 : i32
    %c0_i32_2 = arith.constant 0 : i32
    return %c0_i32, %c0_i32_0, %c0_i32_1 : i32, i32, i32
  }
  func.func @transform_3(%arg0: i32) -> (i32, i32, i32) {
    %c0_i32 = arith.constant 0 : i32
    %c0_i32_0 = arith.constant 0 : i32
    %c0_i32_1 = arith.constant 0 : i32
    return %c0_i32, %arg0, %c0_i32_0 : i32, i32, i32
  }
  func.func @transform_4(%arg0: i32) -> (i32, i32, i32) {
    %c0_i32 = arith.constant 0 : i32
    %c0_i32_0 = arith.constant 0 : i32
    %c0_i32_1 = arith.constant 0 : i32
    %c0_i32_2 = arith.constant 0 : i32
    return %c0_i32, %c0_i32_0, %c0_i32_1 : i32, i32, i32
  }
  func.func @transform_5(%arg0: i32) -> (i32, i32) {
    %c0_i32 = arith.constant 0 : i32
    %c0_i32_0 = arith.constant 0 : i32
    %c0_i32_1 = arith.constant 0 : i32
    return %c0_i32, %c0_i32_0 : i32, i32
  }
  func.func @transform_6(%arg0: i32) -> (i32, i32) {
    %c0_i32 = arith.constant 0 : i32
    %c0_i32_0 = arith.constant 0 : i32
    return %arg0, %c0_i32 : i32, i32
  }
}

</mosaic_0001>

<sc_bundles>
// kernel: kernel.8.cloned.1.call-start
scs
__scs_entry_jumppad:
0x0: {  	(pc) =	sbr.rel $0x88, $3  }
0x1: {  	(tag) =	ssettag $0x0;
	lr =	simm.s32 $0x1  }
0x2: {  	[smem:$0x3F9B] =	sst lr;
	_ =	strace $0xD0000000  }
0x3: {  	_ = 	snop  }
0x4: {  	_ = 	snop  }
0x5: {  	_ = 	snop  }
0x6: {  	_ = 	snop  }
0x7: {  	_ = 	snop  }
__scs_overlays_trampoline_lowered:
0x8: {  	[smem:$0x3FAA] =	sst s0  }
0x9: {  	[smem:$0x3FAB] =	sst s1  }
0xa: {  	[smem:$0x3FAC] =	sst s2  }
0xb: {  	[smem:$0x3FAD] =	sst s3  }
0xc: {  	[smem:$0x3FAE] =	sst s4  }
0xd: {  	[smem:$0x3FAF] =	sst s5  }
0xe: {  	[smem:$0x3FB0] =	sst s6  }
0xf: {  	[smem:$0x3FB1] =	sst s7  }
0x10: {  	[smem:$0x3FB2] =	sst s8  }
0x11: {  	[smem:$0x3FB3] =	sst s9;
	s0 =	simm.s32 @!p0 $0x0  }
0x12: {  	s1 =	sld [smem:$0x3F99];
	s0 =	simm.s32 @p0 $0x1  }
0x13: {  	[smem:$0x3FB4] =	sst s0;
	s0 =	simm.s32 @!p1 $0x0  }
0x14: {  	s2 =	sld [smem:$0x3F98];
	s0 =	simm.s32 @p1 $0x1  }
0x15: {  	[smem:$0x3FB5] =	sst s0;
	s0 =	simm.s32 @!p2 $0x0  }
0x16: {  	s3 =	sld [smem:$0x3FDB];
	s0 =	simm.s32 @p2 $0x1  }
0x17: {  	s4 =	simm.s32 $0x1BF5;
	[smem:$0x3FB7] =	sst s0  }
0x18: {  	s0 =	sld [smem:$0x3F9A];
	_ =	swait.ge [sflag:s4], $0x0  }
0x19: {  	s7 =	sld [smem:$0x3F9B]  }
0x1a: {  	s8 =	sadd.s32 $0xFFFFE003, lr  }
0x1b: {  	s9 =	sadd.s32 $0xFFFFFEF7, lr;
	s5 =	simm.s32 $0xFFFFFFFF;
	p2 =	slt.u32 s8, $0xFFFFF086  }
0x1c: {  	p1 =	slt.u32 s9, $0xF7A;
	s5 =	simm.s32 @!p2 $0x0  }
0x1d: {  	s5 =	simm.s32 @p1 $0x1;
	p0 =	seq.s32 s7, s2  }
0x1e: {  	s7 =	smul.u32 @!p0 $0xF7A, s2;
	p2 =	seq.s32 @!p0 s5, $0x0  }
0x1f: {  	s9 =	smul.u32 $0xF7A, s1;
	s8 =	simm.s32 @!p0 $0x1BF5;
	p2 =	por !p2, p0  }
0x20: {  	[sflag:s8] =	ssyncset.s32 @!p0 $0xFFFFF086;
	s6 =	sadd.s32 @!p0 s3, s7;
	s7 =	simm.s32 @!p0 $0x108  }
0x21: {  	s3 =	sadd.s32 s3, s9;
	s6 =	sadd.s32 @!p0 $0x88, s6;
	s7 =	simm.s32 @p2 $0x1082  }
0x22: {  	[simem:s7], [sflag:s8] =	dma.local @!p0 [hbm:s6], $0xF7A  }
0x23: {  	s9 =	sor.u32 $0xD0000000, s2;
	s6 =	simm.s32 $0x108;
	_ =	swait.ge @!p0 [sflag:s8], $0x0  }
0x24: {  	s3 =	sadd.s32 $0x88, s3;
	s6 =	simm.s32 @!p1 $0x1082;
	[sflag:s4] =	ssyncset.s32 $0xFFFFF086  }
0x25: {  	[simem:s6], [sflag:s4] =	dma.local [hbm:s3], $0xF7A  }
0x26: {  	[smem:$0x3F9B] =	sst s1;
	(tag) =	ssettag s2;
	_ =	strace s9  }
0x27: {  	s1 =	sld [smem:$0x3FAB]  }
0x28: {  	s2 =	sld [smem:$0x3FAC]  }
0x29: {  	s4 =	sld [smem:$0x3FAE]  }
0x2a: {  	p0 =	seq.s32 s5, $0x0;
	s5 =	sld [smem:$0x3FAF]  }
0x2b: {  	s6 =	sld [smem:$0x3FB0]  }
0x2c: {  	s7 =	sld [smem:$0x3FB1]  }
0x2d: {  	s3 =	simm.s32 $0x108;
	s8 =	sld [smem:$0x3FB2]  }
0x2e: {  	s3 =	simm.s32 @!p0 $0x1082;
	s9 =	sld [smem:$0x3FB3]  }
0x2f: {  	lr =	sadd.s32 s0, s3;
	s0 =	sld [smem:$0x3FAA]  }
0x30: {  	s3 =	sld [smem:$0x3FAD]  }
0x31: {  	[smem:$0x3FB6] =	sst s10  }
0x32: {  	s10 =	sld [smem:$0x3FB4];
	_ =	sdelay $0x3  }
0x33: {  	p0 =	seq.s32 s10, $0x1;
	s10 =	sld [smem:$0x3FB6];
	_ =	sdelay $0x3  }
0x34: {  	[smem:$0x3FB6] =	sst s10  }
0x35: {  	s10 =	sld [smem:$0x3FB5];
	_ =	sdelay $0x3  }
0x36: {  	p1 =	seq.s32 s10, $0x1;
	s10 =	sld [smem:$0x3FB6];
	_ =	sdelay $0x3  }
0x37: {  	[smem:$0x3FB6] =	sst s10  }
0x38: {  	s10 =	sld [smem:$0x3FB7]  }
0x39: {  	_ = 	snop;
	(pc) =	sbr.ind lr, $3  }
0x3a: {  	_ = 	snop  }
0x3b: {  	_ = 	snop  }
0x3c: {  	p2 =	seq.s32 s10, $0x1;
	s10 =	sld [smem:$0x3FB6]  }
0x3d: {  	_ =	shalt  }
0x3e: {  	_ =	shalt  }
0x3f: {  	_ =	shalt  }
0x40: {  	_ =	shalt  }
0x41: {  	_ =	shalt  }
0x42: {  	_ =	shalt  }
0x43: {  	_ =	shalt  }
0x44: {  	_ =	shalt  }
0x45: {  	_ =	shalt  }
0x46: {  	_ =	shalt  }
0x47: {  	_ =	shalt  }
0x48: {  	_ =	shalt  }
0x49: {  	_ =	shalt  }
0x4a: {  	_ =	shalt  }
0x4b: {  	_ =	shalt  }
0x4c: {  	_ =	shalt  }
0x4d: {  	_ =	shalt  }
0x4e: {  	_ =	shalt  }
0x4f: {  	_ =	shalt  }
0x50: {  	_ =	shalt  }
0x51: {  	_ =	shalt  }
0x52: {  	_ =	shalt  }
0x53: {  	_ =	shalt  }
0x54: {  	_ =	shalt  }
0x55: {  	_ =	shalt  }
0x56: {  	_ =	shalt  }
0x57: {  	_ =	shalt  }
0x58: {  	_ =	shalt  }
0x59: {  	_ =	shalt  }
0x5a: {  	_ =	shalt  }
0x5b: {  	_ =	shalt  }
0x5c: {  	_ =	shalt  }
0x5d: {  	_ =	shalt  }
0x5e: {  	_ =	shalt  }
0x5f: {  	_ =	shalt  }
0x60: {  	_ =	shalt  }
0x61: {  	_ =	shalt  }
0x62: {  	_ =	shalt  }
0x63: {  	_ =	shalt  }
0x64: {  	_ =	shalt  }
0x65: {  	_ =	shalt  }
0x66: {  	_ =	shalt  }
0x67: {  	_ =	shalt  }
0x68: {  	_ =	shalt  }
0x69: {  	_ =	shalt  }
0x6a: {  	_ =	shalt  }
0x6b: {  	_ =	shalt  }
0x6c: {  	_ =	shalt  }
0x6d: {  	_ =	shalt  }
0x6e: {  	_ =	shalt  }
0x6f: {  	_ =	shalt  }
0x70: {  	_ =	shalt  }
0x71: {  	_ =	shalt  }
0x72: {  	_ =	shalt  }
0x73: {  	_ =	shalt  }
0x74: {  	_ =	shalt  }
0x75: {  	_ =	shalt  }
0x76: {  	_ =	shalt  }
0x77: {  	_ =	shalt  }
0x78: {  	_ =	shalt  }
0x79: {  	_ =	shalt  }
0x7a: {  	_ =	shalt  }
0x7b: {  	_ =	shalt  }
0x7c: {  	_ =	shalt  }
0x7d: {  	_ =	shalt  }
0x7e: {  	_ =	shalt  }
0x7f: {  	_ =	shalt  }
0x80: {  	_ =	shalt  }
0x81: {  	_ =	shalt  }
0x82: {  	_ =	shalt  }
0x83: {  	_ =	shalt  }
0x84: {  	_ =	shalt  }
0x85: {  	_ =	shalt  }
0x86: {  	_ =	shalt  }
0x87: {  	_ =	shalt  }
.Lfunc_end0:
.L_simem_size_0:
called_computation_lowered:
.L_overlay_start_0:
0x88: {  	s2 =	sld [smem:$0x3FD9]  }
0x89: {  	s3 =	sld [smem:$0x3FFE];
	_ =	sdelay $0x1  }
0x8a: {  	s1 =	srdreg.scid  }
0x8b: {  	s0 =	sand.u32 $0x1, s1  }
0x8c: {  	s17 =	sshll.u32 s0, $0xA;
	s2 =	sadd.s32 s3, s2  }
0x8d: {  	s2 =	sadd.s32 s2, s17  }
0x8e: {  	[smem:$0x3FC2] =	sst s2  }
0x8f: {  	_ = 	snop  }
0x90: {  	s2 =	sld [smem:$0x3FD0];
	(tm) =	ssettm $0x1  }
0x91: {  	s18 =	sld [smem:$0x3FFB];
	_ =	sdelay $0x3  }
0x92: {  	_ =	strace s18  }
0x93: {  	s3 =	sld [smem:$0x3FFC];
	_ =	sdelay $0x3  }
0x94: {  	_ =	strace s3  }
0x95: {  	s3 =	sld [smem:$0x3FFD];
	_ =	sdelay $0x3  }
0x96: {  	_ =	strace s3  }
0x97: {  	_ =	strace $0x8FFFFFFF  }
0x98: {  	s19 =	sld [smem:$0x3FDB];
	_ =	sdelay $0x1  }
0x99: {  	s4 =	simm.s32 $_scs_section_size  }
0x9a: {  	s5 =	simm.s32 $_size__tile_overlayer_lowered;
	s6 =	simm.s32 $_tile_overlayer_lowered  }
0x9b: {  	s22 =	simm.s32 $0x1BFF;
	s21 =	sshll.u32 s6, $0x1;
	s3 =	sadd.s32 s4, s19  }
0x9c: {  	s7 =	simm.s32 $0x0;
	s20 =	sshll.u32 s5, $0x1;
	s5 =	sadd.s32 s21, s3  }
0x9d: {  	[timem:s7], [sflag:s22] =	dma.local [hbm:s5], s20  }
0x9e: {  	_ =	swait.ge [sflag:s22], s20  }
0x9f: {  	s4 =	ssub.s32 $0x0, s20;
	[sflag:s22] =	ssyncset.done $0x0  }
0xa0: {  	[sflag:s22] =	ssyncadd.s32 s4;
	_ =	sdelay $0x1  }
0xa1: {  	s23 =	simm.s32 $0x1B8B  }
0xa2: {  	_ =	swait.ge [sflag:s23], $0x1  }
0xa3: {  	[sflag:s23] =	ssyncset.done $0x0  }
0xa4: {  	s25 =	simm.s32 $0x1B8E;
	s24 =	sld [smem:$0x3FFE];
	[sflag:s23] =	ssyncadd.s32 $0xFFFFFFFF  }
0xa5: {  	s26 =	simm.s32 $execute0_lowered;
	[smem:$0x3FD2] =	sst s25  }
0xa6: {  	s5 =	sshll.u32 s26, $0x1;
	_ =	strace $0x80000046;
	[dreg:$0x1] =	wrdreg $0xFFFFFFFF  }
0xa7: {  	s28 =	simm.s32 $_size_execute0_lowered;
	s3 =	sadd.s32 s3, s5;
	[dreg:$0x0] =	wrdreg $0x0  }
0xa8: {  	s5 =	sshll.u32 s28, $0x1;
	[dreg:$0x2] =	wrdreg s3  }
0xa9: {  	[dreg:$0x3] =	wrdreg s5  }
0xaa: {  	[dreg:$0x4] =	wrdreg $0xC0  }
0xab: {  	_ =	task [dreg:s7], $0x5FFFF  }
0xac: {  	[dreg:$0x1] =	wrdreg $0xFFFFFFFF  }
0xad: {  	[dreg:$0x0] =	wrdreg $0x60  }
0xae: {  	[dreg:$0x2] =	wrdreg s2  }
0xaf: {  	[dreg:$0x3] =	wrdreg s24  }
0xb0: {  	[dreg:$0x4] =	wrdreg $0x9  }
0xb1: {  	_ =	task.clear_ibuf [dreg:s7], $0x5FFFF;
	_ =	strace $0x90000046  }
0xb2: {  	s29 =	simm.s32 $0x9;
	_ =	strace $0x80000048  }
0xb3: {  	_ =	swait.ge [sflag:s29], $0x1  }
0xb4: {  	[sflag:s29] =	ssyncadd.s32 $0xFFFFFFFF  }
0xb5: {  	_ =	strace $0x90000048  }
0xb6: {  	_ =	sfence  }
0xb7: {  	s30 =	sld [smem:$0x0];
	_ =	sdelay $0x2  }
0xb8: {  	s31 =	sshll.u32 s1, $0xD;
	s1 =	sshrl.u32 s1, $0x2  }
0xb9: {  	s3 =	sand.u32 $0x4000, s31;
	s1 =	sadd.s32 s1, s30  }
0xba: {  	s0 =	sor.u32 s3, s0;
	s1 =	sshll.u32 s1, $0x11  }
0xbb: {  	s0 =	sor.u32 s1, s0  }
0xbc: {  	s0 =	sadd.s32 $0x8F2B, s0  }
0xbd: {  	[sflag:s0] =	ssyncadd.remote.s32 $0x1  }
0xbe: {  	_ =	sfence.sel $0xFFFF  }
0xbf: {  	[dreg:$0x0] =	wrdreg $0xFFFFFFFF;
	(pc) =	sbr.abs _section_cstart, $3  }
0xc0: {  	[dreg:$0x1] =	wrdreg $0xFFFFFFFF  }
0xc1: {  	_ =	task.clear_ibuf [dreg:s7], $0x2FFFF;
	_ =	strace $0x9FFFFFFF  }
0xc2: {  	(tm) =	ssettm $0x7FFFFFFF  }
0xc3: {  	_ =	shalt  }
tec
execute0_lowered:
.L_overlay_start_1:
0x0: {  	(tag) =	ssettag $0x1  }
0x1: {  	s1 =	srdreg.scid;
	s0 =	stileid.u32  }
0x2: {  	s2 =	rddreg [dreg:$0x0];
	s6 =	sand.u32 $0x1, s1;
	s30 =	sshll.u32 s0, $0x1  }
0x3: {  	s8 =	rddreg [dreg:$0x1];
	s7 =	sor.u32 s6, s30  }
0x4: {  	s3 =	simm.s32 $0x0;
	s1 =	rddreg [dreg:$0x2];
	s4 =	smul.u32 $0x60, s7  }
0x5: {  	[smem:$0x7FF] =	sst s3  }
0x6: {  	_ =	strace $0x80000047;
	s10 =	ssub.s32 $0x2, s6;
	s4 =	sadd.s32 s4, s8  }
0x7: {  	s6 =	simm.s32 $0x300;
	s5 =	sadd.s32 $0x2400, s4;
	s4 =	simm.s32 $0x2  }
0x8: {  	[tilespmem:s3], [sflag:$0x2] =	stream.linear.gather [hbm4b:s5+s3], $0x300, $0x38;
	[tilespmem:$0x18300] =	vst v63  }
0x9: {  	s9 =	smul.u32 $0x3000, s7;
	s11 =	sshrl.u32 s10, $0x1;
	_ =	swait.ge [sflag:s4], $0x300  }
0xa: {  	s7 =	simm.s32 $0x1;
	s31 =	ssub.s32 s10, s11;
	[sflag:s4] =	ssyncset.done $0x0  }
0xb: {  	s8 =	sadd.s32 s9, s8;
	s9 =	smax.u32 s31, $0x1;
	[sflag:s4] =	ssyncadd.s32 $0xFFFFFD00  }
0xc: {  	[tilespmem:s6], [sflag:$0x1] =	stream.indirect.gather [hbm4b:s2+s6], $0x80, s3, s6, $0xb8;
	[tilespmem:$0x18300] =	vst v63  }
0xd: {  	p0 =	sne.s32 s9, $0x1;
	_ =	swait.ge [sflag:s7], $0x18000  }
.Ltmp0:
0xe: {  	[sflag:s7] =	ssyncset.done $0x0;
	(pc) =	sbr.rel @!p0 .LBB2_2-.Ltmp0, $4  }
0xf: {  	s8 =	sadd.s32 $0x63000, s8;
	[sflag:s7] =	ssyncadd.s32 $0xFFFE8000  }
0x10: {  	[hbm4b:s8+s3] =	stream.linear.scatter [tilespmem:s6], [sflag:$0x2], $0x18000, $0x38;
	[tilespmem:$0x18300] =	vst v63  }
0x11: {  	_ =	swait.ge [sflag:s4], $0x18000  }
0x12: {  	s9 =	sadd.s32 $0xFFFFFFFF, s9;
	[sflag:s4] =	ssyncset.done $0x0  }
.LBB2_1:
0x13: {  	p0 =	sne.s32 s9, $0x1;
	s9 =	sadd.s32 $0xFFFFFFFF, s9;
	[sflag:s4] =	ssyncadd.s32 $0xFFFE8000  }
0x14: {  	[tilespmem:s3], [sflag:$0x2] =	stream.linear.gather [hbm4b:s5+s3], $0x300, $0x38;
	[tilespmem:$0x18300] =	vst v63  }
0x15: {  	_ =	swait.ge [sflag:s4], $0x300  }
0x16: {  	[sflag:s4] =	ssyncset.done $0x0  }
0x17: {  	[sflag:s4] =	ssyncadd.s32 $0xFFFFFD00  }
0x18: {  	[tilespmem:s6], [sflag:$0x1] =	stream.indirect.gather [hbm4b:s2+s6], $0x80, s3, s6, $0xb8;
	[tilespmem:$0x18300] =	vst v63  }
0x19: {  	_ =	swait.ge [sflag:s7], $0x18000  }
.Ltmp1:
0x1a: {  	[sflag:s7] =	ssyncset.done $0x0;
	(pc) =	sbr.rel @p0 .LBB2_1-.Ltmp1, $4  }
0x1b: {  	[sflag:s7] =	ssyncadd.s32 $0xFFFE8000  }
0x1c: {  	[hbm4b:s8+s3] =	stream.linear.scatter [tilespmem:s6], [sflag:$0x2], $0x18000, $0x38;
	[tilespmem:$0x18300] =	vst v63  }
0x1d: {  	_ =	swait.ge [sflag:s4], $0x18000  }
0x1e: {  	[sflag:s4] =	ssyncset.done $0x0  }
.LBB2_2:
0x1f: {  	[sflag:s4] =	ssyncadd.s32 $0xFFFE8000  }
0x20: {  	_ =	sfence.sel $0x180000  }
0x21: {  	[bflag:$0x0] =	sbarrier.arrive $0xFFFF  }
0x22: {  	p0 =	sne.s32 s0, $0x0;
	_ =	strace $0x90000047  }
0x23: {  	s0 =	sadd.s32 @!p0 $0x100000, s1;
	[bflag:$0x2] =	sbarrier.arrive $0xFFFF  }
0x24: {  	[sflag:s0] =	ssyncadd.tile.s32 @!p0 $0x1;
	_ =	shalt  }
.Lfunc_end2:
_tile_overlayer_lowered:
.L_overlay_start_2:
0x25: {  	(tag) =	ssettag $0x2  }
0x26: {  	s0 =	rddreg [dreg:$0x0];
	s2 =	stileid.u32  }
0x27: {  	s1 =	rddreg [dreg:$0x1];
	p0 =	sne.s32 s2, $0x0  }
0x28: {  	s3 =	rddreg [dreg:$0x2];
	[bflag:$0x3] =	sbarrier.arrive $0xFFFF;
	s2 =	simm.s32 @!p0 $0x1C02  }
0x29: {  	[timem:s3], [sflag:s2] =	dma.local @!p0 [hbm:s0], s1  }
0x2a: {  	s0 =	simm.s32 @!p0 $0x2  }
0x2b: {  	_ =	swait.ge @!p0 [sflag:s0], s1  }
0x2c: {  	s1 =	ssub.s32 @!p0 $0x0, s1;
	[sflag:s0] =	ssyncset.done @!p0 $0x0  }
0x2d: {  	[sflag:s0] =	ssyncadd.s32 @!p0 s1  }
0x2e: {  	[bflag:$0x3] =	sbarrier.arrive $0xFFFF  }
0x2f: {  	_ =	shalt  }

</sc_bundles>
